<compile_context>
chip_gen: v7x
topology: tpu7x:2x2x1
jax: 0.10.2.dev20260603
libtpu: 0.0.44.dev20260713+nightly
codegen_flags: <defaults>
</compile_context>

<pallas_src>
import jax
import jax.numpy as jnp
from jax import lax
from jax.experimental import pallas as pl
from jax.experimental.pallas import tpu as pltpu
from jax.experimental.pallas import tpu_sc as plsc

NUM_NODES = 1000000
DIM = 128
EPS = 1e-05
N_ROWS = 16384
N_COLS = 50
NW = 32
ROWS_PER_W = N_ROWS // NW
CHUNK = 128
BLOCKS = ROWS_PER_W // CHUNK
N_CHUNKS = N_COLS * BLOCKS
NBUF = 5
STRIPE = 64

MAX_NORM = 1.0 - EPS
MAX_NORM2 = MAX_NORM * MAX_NORM
FLAG_THR = MAX_NORM * (1.0 - 1e-4) / float(DIM) ** 0.5

FLAG_BLK = 4000
FIX_BLK = 2048


def _flag_body(table_ref, flag_ref):
    @pl.when(pl.program_id(0) == 0)
    def _init():
        flag_ref[0, 0] = 0

    x = table_ref[...]
    m = jnp.max(jnp.abs(x))

    @pl.when(m > jnp.float32(FLAG_THR))
    def _set():
        flag_ref[0, 0] = 1


def _flag_tc(embeddings):
    return pl.pallas_call(
        _flag_body,
        grid=(NUM_NODES // FLAG_BLK,),
        in_specs=[pl.BlockSpec((FLAG_BLK, DIM), lambda i: (i, 0))],
        out_specs=pl.BlockSpec(memory_space=pltpu.SMEM),
        out_shape=jax.ShapeDtypeStruct((1, 1), jnp.int32),
    )(embeddings)


def _gather_body(idx_hbm, table_hbm, out_hbm, idx2_v, idx_v,
                 b0, b1, b2, b3, b4, g0, g1, g2, g3, g4,
                 w0, w1, w2, w3, w4):
    bufs = (b0, b1, b2, b3, b4)
    gsem = (g0, g1, g2, g3, g4)
    wsem = (w0, w1, w2, w3, w4)
    wid = lax.axis_index("s") * 2 + lax.axis_index("c")
    row_base = wid * ROWS_PER_W
    lane = lax.iota(jnp.int32, 16)

    def stripe_body(st, _):
        pltpu.sync_copy(idx_hbm.at[pl.ds(row_base + st * STRIPE, STRIPE)],
                        idx2_v)

        def build_body(t, _):
            lt = t * 16 + lane
            lr = lt // N_COLS
            c = lt - lr * N_COLS
            vals = plsc.load_gather(idx2_v, [lr, c])
            r = st * STRIPE + lr
            q = c * BLOCKS + r // CHUNK
            d = r - (r // CHUNK) * CHUNK
            plsc.store_scatter(idx_v, [q, d], vals)
            return _

        lax.fori_loop(0, STRIPE * N_COLS // 16, build_body, None)
        return _

    lax.fori_loop(0, ROWS_PER_W // STRIPE, stripe_body, None)

    pltpu.async_copy(table_hbm.at[idx_v.at[0]], bufs[0], gsem[0])
    pltpu.async_copy(table_hbm.at[idx_v.at[1]], bufs[1], gsem[1])

    def ring_body(i, _):
        for b in range(NBUF):
            c = i * NBUF + b
            bn = (b + 2) % NBUF
            col = c // BLOCKS
            orow = row_base + (c - col * BLOCKS) * CHUNK
            pltpu.make_async_copy(table_hbm.at[idx_v.at[c]], bufs[b],
                                  gsem[b]).wait()

            @pl.when(c >= 3)
            def _retire():
                pltpu.make_async_copy(bufs[bn], out_hbm.at[0, pl.ds(0, CHUNK)],
                                      wsem[bn]).wait()

            @pl.when(c + 2 < N_CHUNKS)
            def _prefetch():
                pltpu.async_copy(table_hbm.at[idx_v.at[c + 2]], bufs[bn],
                                 gsem[bn])

            pltpu.async_copy(bufs[b], out_hbm.at[col, pl.ds(orow, CHUNK)],
                             wsem[b])
        return _

    lax.fori_loop(0, N_CHUNKS // NBUF, ring_body, None)

    for b in ((N_CHUNKS - 3) % NBUF, (N_CHUNKS - 2) % NBUF,
              (N_CHUNKS - 1) % NBUF):
        pltpu.make_async_copy(bufs[b], out_hbm.at[0, pl.ds(0, CHUNK)],
                              wsem[b]).wait()


def _gather_sc(idx, embeddings):
    mesh = plsc.VectorSubcoreMesh(core_axis_name="c", subcore_axis_name="s")
    f = pl.kernel(
        _gather_body,
        mesh=mesh,
        out_type=jax.ShapeDtypeStruct((N_COLS, N_ROWS, DIM), jnp.float32),
        scratch_types=[
            pltpu.VMEM((STRIPE, N_COLS), jnp.int32),
            pltpu.VMEM((N_CHUNKS, CHUNK), jnp.int32),
            pltpu.VMEM((CHUNK, DIM), jnp.float32),
            pltpu.VMEM((CHUNK, DIM), jnp.float32),
            pltpu.VMEM((CHUNK, DIM), jnp.float32),
            pltpu.VMEM((CHUNK, DIM), jnp.float32),
            pltpu.VMEM((CHUNK, DIM), jnp.float32),
            pltpu.SemaphoreType.DMA,
            pltpu.SemaphoreType.DMA,
            pltpu.SemaphoreType.DMA,
            pltpu.SemaphoreType.DMA,
            pltpu.SemaphoreType.DMA,
            pltpu.SemaphoreType.DMA,
            pltpu.SemaphoreType.DMA,
            pltpu.SemaphoreType.DMA,
            pltpu.SemaphoreType.DMA,
            pltpu.SemaphoreType.DMA,
        ],
        compiler_params=pltpu.CompilerParams(needs_layout_passes=False),
    )
    return f(idx, embeddings)


def _fix_body(flag_ref, inout_ref, out_ref, vbuf, sem):
    del out_ref

    @pl.when(flag_ref[0, 0] != 0)
    def _slow_path():
        def block_body(t, _):
            s = t // (N_ROWS // FIX_BLK)
            r0 = (t - s * (N_ROWS // FIX_BLK)) * FIX_BLK
            src = inout_ref.at[s, pl.ds(r0, FIX_BLK)]
            pltpu.make_async_copy(src, vbuf, sem).start()
            pltpu.make_async_copy(src, vbuf, sem).wait()
            x = vbuf[...]
            norm = jnp.sqrt(jnp.sum(x * x, axis=1, keepdims=True))
            y = jnp.where(norm > jnp.float32(MAX_NORM),
                          x / norm * jnp.float32(MAX_NORM), x)
            vbuf[...] = y
            pltpu.make_async_copy(vbuf, src, sem).start()
            pltpu.make_async_copy(vbuf, src, sem).wait()
            return _

        lax.fori_loop(0, N_COLS * (N_ROWS // FIX_BLK), block_body, None)


def _fix_tc(out, flag):
    return pl.pallas_call(
        _fix_body,
        in_specs=[pl.BlockSpec(memory_space=pltpu.SMEM),
                  pl.BlockSpec(memory_space=pl.ANY)],
        out_specs=pl.BlockSpec(memory_space=pl.ANY),
        out_shape=jax.ShapeDtypeStruct((N_COLS, N_ROWS, DIM), jnp.float32),
        scratch_shapes=[pltpu.VMEM((FIX_BLK, DIM), jnp.float32),
                        pltpu.SemaphoreType.DMA],
        input_output_aliases={1: 0},
    )(flag, out)


@jax.jit
def _impl(idx, embeddings):
    flag = _flag_tc(embeddings)
    out = _gather_sc(idx, embeddings)
    out = _fix_tc(out, flag)
    return jnp.transpose(out, (1, 0, 2))


def kernel(indices, embeddings):
    return _impl(indices.astype(jnp.int32), embeddings)

# --- scband reference (transcript-rebuilt; emitter-appended) ---
"""Pipeline reference for scband-poincare-embedding-26980984553632 (READ-ONLY COPY).

The authoritative reference and input builder live on the scoring server;
editing this copy changes nothing except your own understanding.
"""

import jax, jax.numpy as jnp
import numpy as np

NUM_NODES = 1000000
DIM = 128
EPS = 1e-05


def setup_inputs(seed: int = 0) -> dict:
    key = jax.random.key(seed)
    k1, k2 = jax.random.split(key)
    indices = jax.random.randint(k1, (16384, 50), 0, NUM_NODES, dtype=jnp.int64)
    embeddings = jax.random.normal(k2, (NUM_NODES, DIM), dtype=jnp.float32) * 0.001
    return {"indices": indices, "embeddings": embeddings}


def _project(x):
    norm = jnp.linalg.norm(x, axis=-1, keepdims=True)
    max_norm = 1.0 - EPS
    return jnp.where(norm > max_norm, x / norm * max_norm, x)


def reference(indices, embeddings):
    emb = jnp.take(embeddings, indices, axis=0)
    return _project(emb)

if __name__ == "__main__":
    import jax
    _d = setup_inputs()
    print(jax.jit(kernel)(*tuple(_d.values())))

</pallas_src>

<mosaic_0001>
#map = affine_map<(d0, d1) -> (0, 0)>
#map1 = affine_map<(d0, d1) -> (0, 0, 0)>
module attributes {stable_mosaic.version = 14 : i64} {
  func.func @_gather_body(%arg0: i32, %arg1: i32, %arg2: memref<16384x50xi32, #tpu.memory_space<hbm>>, %arg3: memref<1000000x128xf32, #tpu.memory_space<hbm>>, %arg4: memref<50x16384x128xf32, #tpu.memory_space<hbm>>, %arg5: memref<64x50xi32, #tpu.memory_space<vmem>>, %arg6: memref<200x128xi32, #tpu.memory_space<vmem>>, %arg7: memref<128x128xf32, #tpu.memory_space<vmem>>, %arg8: memref<128x128xf32, #tpu.memory_space<vmem>>, %arg9: memref<128x128xf32, #tpu.memory_space<vmem>>, %arg10: memref<128x128xf32, #tpu.memory_space<vmem>>, %arg11: memref<128x128xf32, #tpu.memory_space<vmem>>, %arg12: memref<!tpu.dma_semaphore, #tpu.memory_space<semaphore_mem>>, %arg13: memref<!tpu.dma_semaphore, #tpu.memory_space<semaphore_mem>>, %arg14: memref<!tpu.dma_semaphore, #tpu.memory_space<semaphore_mem>>, %arg15: memref<!tpu.dma_semaphore, #tpu.memory_space<semaphore_mem>>, %arg16: memref<!tpu.dma_semaphore, #tpu.memory_space<semaphore_mem>>, %arg17: memref<!tpu.dma_semaphore, #tpu.memory_space<semaphore_mem>>, %arg18: memref<!tpu.dma_semaphore, #tpu.memory_space<semaphore_mem>>, %arg19: memref<!tpu.dma_semaphore, #tpu.memory_space<semaphore_mem>>, %arg20: memref<!tpu.dma_semaphore, #tpu.memory_space<semaphore_mem>>, %arg21: memref<!tpu.dma_semaphore, #tpu.memory_space<semaphore_mem>>) attributes {dimension_semantics = [#tpu.dimension_semantics<core_parallel>, #tpu.dimension_semantics<subcore_parallel>], iteration_bounds = array<i64: 2, 16>, scalar_prefetch = 0 : i64, scratch_operands = 17 : i64, tpu.core_type = #tpu.core_type<sc_vector_subcore>, window_params = [{transform_indices = #map}, {transform_indices = #map}, {transform_indices = #map1}]} {
    %mul3A = arith.constant 2 : i32
    %mul3A_0 = arith.muli %arg1, %mul3A : i32
    %add3A = arith.addi %mul3A_0, %arg0 : i32
    %mul3A_1 = arith.constant 512 : i32
    %mul3A_2 = arith.muli %add3A, %mul3A_1 : i32
    %iota3A = tpu.iota {dimensions = array<i32: 0>} : vector<16xi32>
    %scan3A = arith.constant 0 : i32
    %scan3A_3 = arith.constant 8 : i32
    %scan3A_4 = arith.addi %scan3A, %scan3A_3 : i32
    %scan3A_5 = arith.constant 1 : i32
    scf.for %scan3A_51 = %scan3A to %scan3A_4 step %scan3A_5  : i32 {
      %mul3A_52 = arith.constant 64 : i32
      %mul3A_53 = arith.muli %scan3A_51, %mul3A_52 : i32
      %add3A_54 = arith.addi %mul3A_2, %mul3A_53 : i32
      "tpu.region"() ({
        %run_scoped3A = tpu.sem_alloc : memref<!tpu.dma_semaphore, #tpu.memory_space<semaphore_mem>>
        %dma_start3A_60 = arith.constant 0 : i32
        %dma_start3A_61 = tpu.memref_slice %arg2[%add3A_54, %dma_start3A_60] : memref<16384x50xi32, #tpu.memory_space<hbm>> -> memref<64x50xi32, #tpu.memory_space<hbm>>
        %dma_start3A_62 = arith.constant 0 : i32
        %dma_start3A_63 = tpu.memref_slice %arg2[%add3A_54, %dma_start3A_62] : memref<16384x50xi32, #tpu.memory_space<hbm>> -> memref<64x50xi32, #tpu.memory_space<hbm>>
        tpu.enqueue_dma source(%dma_start3A_63 : memref<64x50xi32, #tpu.memory_space<hbm>>) target(%arg5 : memref<64x50xi32, #tpu.memory_space<vmem>>) target_semaphore(%run_scoped3A : memref<!tpu.dma_semaphore, #tpu.memory_space<semaphore_mem>>)
        %dma_wait3A_64 = arith.constant 0 : i32
        %dma_wait3A_65 = tpu.memref_slice %arg2[%add3A_54, %dma_wait3A_64] : memref<16384x50xi32, #tpu.memory_space<hbm>> -> memref<64x50xi32, #tpu.memory_space<hbm>>
        %dma_wait3A_66 = arith.constant 0 : i32
        %dma_wait3A_67 = tpu.memref_slice %arg2[%add3A_54, %dma_wait3A_66] : memref<16384x50xi32, #tpu.memory_space<hbm>> -> memref<64x50xi32, #tpu.memory_space<hbm>>
        tpu.wait_dma2 semaphore(%run_scoped3A : memref<!tpu.dma_semaphore, #tpu.memory_space<semaphore_mem>>) src(%dma_wait3A_67 : memref<64x50xi32, #tpu.memory_space<hbm>>) dst(%arg5 : memref<64x50xi32, #tpu.memory_space<vmem>>)
        tpu.yield
      }) : () -> ()
      %scan3A_55 = arith.constant 0 : i32
      %scan3A_56 = arith.constant 200 : i32
      %scan3A_57 = arith.addi %scan3A_55, %scan3A_56 : i32
      %scan3A_58 = arith.constant 1 : i32
      scf.for %scan3A_60 = %scan3A_55 to %scan3A_57 step %scan3A_58  : i32 {
        %mul3A_61 = arith.constant 16 : i32
        %mul3A_62 = arith.muli %scan3A_60, %mul3A_61 : i32
        %add3A_63 = vector.broadcast %mul3A_62 : i32 to vector<16xi32>
        %add3A_64 = arith.addi %add3A_63, %iota3A : vector<16xi32>
        %jit3A = arith.constant 50 : i32
        %div3A = vector.broadcast %jit3A : i32 to vector<16xi32>
        %div3A_65 = arith.divsi %add3A_64, %div3A : vector<16xi32>
        %sign3A = arith.constant 0 : i32
        %sign3A_66 = vector.broadcast %sign3A : i32 to vector<16xi32>
        %sign3A_67 = arith.cmpi sgt, %add3A_64, %sign3A_66 : vector<16xi32>
        %sign3A_68 = arith.extui %sign3A_67 : vector<16xi1> to vector<16xi32>
        %sign3A_69 = arith.constant 0 : i32
        %sign3A_70 = vector.broadcast %sign3A_69 : i32 to vector<16xi32>
        %sign3A_71 = arith.cmpi slt, %add3A_64, %sign3A_70 : vector<16xi32>
        %sign3A_72 = arith.extui %sign3A_71 : vector<16xi1> to vector<16xi32>
        %sign3A_73 = arith.subi %sign3A_68, %sign3A_72 : vector<16xi32>
        %sign3A_74 = arith.constant 0 : i32
        %sign3A_75 = arith.cmpi sgt, %jit3A, %sign3A_74 : i32
        %sign3A_76 = arith.extui %sign3A_75 : i1 to i32
        %sign3A_77 = arith.constant 0 : i32
        %sign3A_78 = arith.cmpi slt, %jit3A, %sign3A_77 : i32
        %sign3A_79 = arith.extui %sign3A_78 : i1 to i32
        %sign3A_80 = arith.subi %sign3A_76, %sign3A_79 : i32
        %ne3A = vector.broadcast %sign3A_80 : i32 to vector<16xi32>
        %ne3A_81 = arith.cmpi ne, %sign3A_73, %ne3A : vector<16xi32>
        %rem3A = vector.broadcast %jit3A : i32 to vector<16xi32>
        %rem3A_82 = arith.remsi %add3A_64, %rem3A : vector<16xi32>
        %ne3A_83 = arith.constant 0 : i32
        %ne3A_84 = vector.broadcast %ne3A_83 : i32 to vector<16xi32>
        %ne3A_85 = arith.cmpi ne, %rem3A_82, %ne3A_84 : vector<16xi32>
        %and3A = arith.andi %ne3A_81, %ne3A_85 : vector<16xi1>
        %sub3A = arith.constant 1 : i32
        %sub3A_86 = vector.broadcast %sub3A : i32 to vector<16xi32>
        %sub3A_87 = arith.subi %div3A_65, %sub3A_86 : vector<16xi32>
        %select_n3A = arith.select %and3A, %sub3A_87, %div3A_65 : vector<16xi1>, vector<16xi32>
        %mul3A_88 = arith.constant 50 : i32
        %mul3A_89 = vector.broadcast %mul3A_88 : i32 to vector<16xi32>
        %mul3A_90 = arith.muli %select_n3A, %mul3A_89 : vector<16xi32>
        %sub3A_91 = arith.subi %add3A_64, %mul3A_90 : vector<16xi32>
        %gather3A = tpu.vector_load_idx %arg5[%select_n3A, %sub3A_91] : memref<64x50xi32, #tpu.memory_space<vmem>>[vector<16xi32>, vector<16xi32>], vector<16xi32>,
        %mul3A_92 = arith.constant 64 : i32
        %mul3A_93 = arith.muli %scan3A_51, %mul3A_92 : i32
        %add3A_94 = vector.broadcast %mul3A_93 : i32 to vector<16xi32>
        %add3A_95 = arith.addi %add3A_94, %select_n3A : vector<16xi32>
        %mul3A_96 = arith.constant 4 : i32
        %mul3A_97 = vector.broadcast %mul3A_96 : i32 to vector<16xi32>
        %mul3A_98 = arith.muli %sub3A_91, %mul3A_97 : vector<16xi32>
        %jit3A_99 = arith.constant 128 : i32
        %div3A_100 = vector.broadcast %jit3A_99 : i32 to vector<16xi32>
        %div3A_101 = arith.divsi %add3A_95, %div3A_100 : vector<16xi32>
        %sign3A_102 = arith.constant 0 : i32
        %sign3A_103 = vector.broadcast %sign3A_102 : i32 to vector<16xi32>
        %sign3A_104 = arith.cmpi sgt, %add3A_95, %sign3A_103 : vector<16xi32>
        %sign3A_105 = arith.extui %sign3A_104 : vector<16xi1> to vector<16xi32>
        %sign3A_106 = arith.constant 0 : i32
        %sign3A_107 = vector.broadcast %sign3A_106 : i32 to vector<16xi32>
        %sign3A_108 = arith.cmpi slt, %add3A_95, %sign3A_107 : vector<16xi32>
        %sign3A_109 = arith.extui %sign3A_108 : vector<16xi1> to vector<16xi32>
        %sign3A_110 = arith.subi %sign3A_105, %sign3A_109 : vector<16xi32>
        %sign3A_111 = arith.constant 0 : i32
        %sign3A_112 = arith.cmpi sgt, %jit3A_99, %sign3A_111 : i32
        %sign3A_113 = arith.extui %sign3A_112 : i1 to i32
        %sign3A_114 = arith.constant 0 : i32
        %sign3A_115 = arith.cmpi slt, %jit3A_99, %sign3A_114 : i32
        %sign3A_116 = arith.extui %sign3A_115 : i1 to i32
        %sign3A_117 = arith.subi %sign3A_113, %sign3A_116 : i32
        %ne3A_118 = vector.broadcast %sign3A_117 : i32 to vector<16xi32>
        %ne3A_119 = arith.cmpi ne, %sign3A_110, %ne3A_118 : vector<16xi32>
        %rem3A_120 = vector.broadcast %jit3A_99 : i32 to vector<16xi32>
        %rem3A_121 = arith.remsi %add3A_95, %rem3A_120 : vector<16xi32>
        %ne3A_122 = arith.constant 0 : i32
        %ne3A_123 = vector.broadcast %ne3A_122 : i32 to vector<16xi32>
        %ne3A_124 = arith.cmpi ne, %rem3A_121, %ne3A_123 : vector<16xi32>
        %and3A_125 = arith.andi %ne3A_119, %ne3A_124 : vector<16xi1>
        %sub3A_126 = arith.constant 1 : i32
        %sub3A_127 = vector.broadcast %sub3A_126 : i32 to vector<16xi32>
        %sub3A_128 = arith.subi %div3A_101, %sub3A_127 : vector<16xi32>
        %select_n3A_129 = arith.select %and3A_125, %sub3A_128, %div3A_101 : vector<16xi1>, vector<16xi32>
        %add3A_130 = arith.addi %mul3A_98, %select_n3A_129 : vector<16xi32>
        %jit3A_131 = arith.constant 128 : i32
        %div3A_132 = vector.broadcast %jit3A_131 : i32 to vector<16xi32>
        %div3A_133 = arith.divsi %add3A_95, %div3A_132 : vector<16xi32>
        %sign3A_134 = arith.constant 0 : i32
        %sign3A_135 = vector.broadcast %sign3A_134 : i32 to vector<16xi32>
        %sign3A_136 = arith.cmpi sgt, %add3A_95, %sign3A_135 : vector<16xi32>
        %sign3A_137 = arith.extui %sign3A_136 : vector<16xi1> to vector<16xi32>
        %sign3A_138 = arith.constant 0 : i32
        %sign3A_139 = vector.broadcast %sign3A_138 : i32 to vector<16xi32>
        %sign3A_140 = arith.cmpi slt, %add3A_95, %sign3A_139 : vector<16xi32>
        %sign3A_141 = arith.extui %sign3A_140 : vector<16xi1> to vector<16xi32>
        %sign3A_142 = arith.subi %sign3A_137, %sign3A_141 : vector<16xi32>
        %sign3A_143 = arith.constant 0 : i32
        %sign3A_144 = arith.cmpi sgt, %jit3A_131, %sign3A_143 : i32
        %sign3A_145 = arith.extui %sign3A_144 : i1 to i32
        %sign3A_146 = arith.constant 0 : i32
        %sign3A_147 = arith.cmpi slt, %jit3A_131, %sign3A_146 : i32
        %sign3A_148 = arith.extui %sign3A_147 : i1 to i32
        %sign3A_149 = arith.subi %sign3A_145, %sign3A_148 : i32
        %ne3A_150 = vector.broadcast %sign3A_149 : i32 to vector<16xi32>
        %ne3A_151 = arith.cmpi ne, %sign3A_142, %ne3A_150 : vector<16xi32>
        %rem3A_152 = vector.broadcast %jit3A_131 : i32 to vector<16xi32>
        %rem3A_153 = arith.remsi %add3A_95, %rem3A_152 : vector<16xi32>
        %ne3A_154 = arith.constant 0 : i32
        %ne3A_155 = vector.broadcast %ne3A_154 : i32 to vector<16xi32>
        %ne3A_156 = arith.cmpi ne, %rem3A_153, %ne3A_155 : vector<16xi32>
        %and3A_157 = arith.andi %ne3A_151, %ne3A_156 : vector<16xi1>
        %sub3A_158 = arith.constant 1 : i32
        %sub3A_159 = vector.broadcast %sub3A_158 : i32 to vector<16xi32>
        %sub3A_160 = arith.subi %div3A_133, %sub3A_159 : vector<16xi32>
        %select_n3A_161 = arith.select %and3A_157, %sub3A_160, %div3A_133 : vector<16xi1>, vector<16xi32>
        %mul3A_162 = arith.constant 128 : i32
        %mul3A_163 = vector.broadcast %mul3A_162 : i32 to vector<16xi32>
        %mul3A_164 = arith.muli %select_n3A_161, %mul3A_163 : vector<16xi32>
        %sub3A_165 = arith.subi %add3A_95, %mul3A_164 : vector<16xi32>
        tpu.vector_store_idx %arg6[%add3A_130, %sub3A_165], %gather3A : memref<200x128xi32, #tpu.memory_space<vmem>>[vector<16xi32>, vector<16xi32>], vector<16xi32>,
      }
      %scan3A_59 = arith.constant 200 : i32
    }
    %scan3A_6 = arith.constant 8 : i32
    %dma_start3A = arith.constant 0 : i32
    %dma_start3A_7 = arith.constant 0 : i32
    %dma_start3A_8 = tpu.memref_slice %arg6[%dma_start3A, %dma_start3A_7] : memref<200x128xi32, #tpu.memory_space<vmem>> -> memref<1x128xi32, #tpu.memory_space<vmem>>
    %dma_start3A_9 = tpu.memref_squeeze %dma_start3A_8 : memref<1x128xi32, #tpu.memory_space<vmem>> -> memref<128xi32, #tpu.memory_space<vmem>>
    %dma_start3A_10 = arith.constant 0 : i32
    %dma_start3A_11 = arith.constant 0 : i32
    %dma_start3A_12 = tpu.memref_slice %arg3[%dma_start3A_10, %dma_start3A_11] : memref<1000000x128xf32, #tpu.memory_space<hbm>> -> memref<1000000x128xf32, #tpu.memory_space<hbm>>
    tpu.enqueue_indirect_dma source(%dma_start3A_12 : memref<1000000x128xf32, #tpu.memory_space<hbm>>) target(%arg7 : memref<128x128xf32, #tpu.memory_space<vmem>>) offsets(%dma_start3A_9 : memref<128xi32, #tpu.memory_space<vmem>>) semaphore(%arg12 : memref<!tpu.dma_semaphore, #tpu.memory_space<semaphore_mem>>)
    %dma_start3A_13 = arith.constant 1 : i32
    %dma_start3A_14 = arith.constant 0 : i32
    %dma_start3A_15 = tpu.memref_slice %arg6[%dma_start3A_13, %dma_start3A_14] : memref<200x128xi32, #tpu.memory_space<vmem>> -> memref<1x128xi32, #tpu.memory_space<vmem>>
    %dma_start3A_16 = tpu.memref_squeeze %dma_start3A_15 : memref<1x128xi32, #tpu.memory_space<vmem>> -> memref<128xi32, #tpu.memory_space<vmem>>
    %dma_start3A_17 = arith.constant 0 : i32
    %dma_start3A_18 = arith.constant 0 : i32
    %dma_start3A_19 = tpu.memref_slice %arg3[%dma_start3A_17, %dma_start3A_18] : memref<1000000x128xf32, #tpu.memory_space<hbm>> -> memref<1000000x128xf32, #tpu.memory_space<hbm>>
    tpu.enqueue_indirect_dma source(%dma_start3A_19 : memref<1000000x128xf32, #tpu.memory_space<hbm>>) target(%arg8 : memref<128x128xf32, #tpu.memory_space<vmem>>) offsets(%dma_start3A_16 : memref<128xi32, #tpu.memory_space<vmem>>) semaphore(%arg13 : memref<!tpu.dma_semaphore, #tpu.memory_space<semaphore_mem>>)
    %scan3A_20 = arith.constant 0 : i32
    %scan3A_21 = arith.constant 40 : i32
    %scan3A_22 = arith.addi %scan3A_20, %scan3A_21 : i32
    %scan3A_23 = arith.constant 1 : i32
    scf.for %scan3A_51 = %scan3A_20 to %scan3A_22 step %scan3A_23  : i32 {
      %mul3A_52 = arith.constant 5 : i32
      %mul3A_53 = arith.muli %scan3A_51, %mul3A_52 : i32
      %add3A_54 = arith.constant 0 : i32
      %add3A_55 = arith.addi %mul3A_53, %add3A_54 : i32
      %jit3A = arith.constant 4 : i32
      %div3A = arith.divsi %add3A_55, %jit3A : i32
      %sign3A = arith.constant 0 : i32
      %sign3A_56 = arith.cmpi sgt, %add3A_55, %sign3A : i32
      %sign3A_57 = arith.extui %sign3A_56 : i1 to i32
      %sign3A_58 = arith.constant 0 : i32
      %sign3A_59 = arith.cmpi slt, %add3A_55, %sign3A_58 : i32
      %sign3A_60 = arith.extui %sign3A_59 : i1 to i32
      %sign3A_61 = arith.subi %sign3A_57, %sign3A_60 : i32
      %sign3A_62 = arith.constant 0 : i32
      %sign3A_63 = arith.cmpi sgt, %jit3A, %sign3A_62 : i32
      %sign3A_64 = arith.extui %sign3A_63 : i1 to i32
      %sign3A_65 = arith.constant 0 : i32
      %sign3A_66 = arith.cmpi slt, %jit3A, %sign3A_65 : i32
      %sign3A_67 = arith.extui %sign3A_66 : i1 to i32
      %sign3A_68 = arith.subi %sign3A_64, %sign3A_67 : i32
      %ne3A = arith.cmpi ne, %sign3A_61, %sign3A_68 : i32
      %rem3A = arith.remsi %add3A_55, %jit3A : i32
      %ne3A_69 = arith.constant 0 : i32
      %ne3A_70 = arith.cmpi ne, %rem3A, %ne3A_69 : i32
      %and3A = arith.andi %ne3A, %ne3A_70 : i1
      %sub3A = arith.constant 1 : i32
      %sub3A_71 = arith.subi %div3A, %sub3A : i32
      %select_n3A = arith.select %and3A, %sub3A_71, %div3A : i32
      %mul3A_72 = arith.constant 4 : i32
      %mul3A_73 = arith.muli %select_n3A, %mul3A_72 : i32
      %sub3A_74 = arith.subi %add3A_55, %mul3A_73 : i32
      %mul3A_75 = arith.constant 128 : i32
      %mul3A_76 = arith.muli %sub3A_74, %mul3A_75 : i32
      %add3A_77 = arith.addi %mul3A_2, %mul3A_76 : i32
      %dma_wait3A_78 = arith.constant 0 : i32
      %dma_wait3A_79 = tpu.memref_slice %arg6[%add3A_55, %dma_wait3A_78] : memref<200x128xi32, #tpu.memory_space<vmem>> -> memref<1x128xi32, #tpu.memory_space<vmem>>
      %dma_wait3A_80 = tpu.memref_squeeze %dma_wait3A_79 : memref<1x128xi32, #tpu.memory_space<vmem>> -> memref<128xi32, #tpu.memory_space<vmem>>
      %dma_wait3A_81 = arith.constant 0 : i32
      %dma_wait3A_82 = arith.constant 0 : i32
      %dma_wait3A_83 = tpu.memref_slice %arg3[%dma_wait3A_81, %dma_wait3A_82] : memref<1000000x128xf32, #tpu.memory_space<hbm>> -> memref<1000000x128xf32, #tpu.memory_space<hbm>>
      tpu.wait_indirect_dma semaphore(%arg12 : memref<!tpu.dma_semaphore, #tpu.memory_space<semaphore_mem>>) src(%dma_wait3A_83 : memref<1000000x128xf32, #tpu.memory_space<hbm>>) dst(%arg7 : memref<128x128xf32, #tpu.memory_space<vmem>>)
      %ge3A = arith.constant 3 : i32
      %ge3A_84 = arith.cmpi sge, %add3A_55, %ge3A : i32
      %convert_element_type3A = arith.extui %ge3A_84 : i1 to i32
      %cond3A = arith.constant 0 : i32
      %cond3A_85 = arith.cmpi ne, %convert_element_type3A, %cond3A : i32
      scf.if %cond3A_85 {
        %dma_wait3A_330 = arith.constant 0 : i32
        %dma_wait3A_331 = arith.constant 0 : i32
        %dma_wait3A_332 = arith.constant 0 : i32
        %dma_wait3A_333 = tpu.memref_slice %arg4[%dma_wait3A_330, %dma_wait3A_331, %dma_wait3A_332] : memref<50x16384x128xf32, #tpu.memory_space<hbm>> -> memref<1x128x128xf32, #tpu.memory_space<hbm>>
        %dma_wait3A_334 = tpu.memref_squeeze %dma_wait3A_333 : memref<1x128x128xf32, #tpu.memory_space<hbm>> -> memref<128x128xf32, #tpu.memory_space<hbm>>
        %dma_wait3A_335 = arith.constant 0 : i32
        %dma_wait3A_336 = arith.constant 0 : i32
        %dma_wait3A_337 = tpu.memref_slice %arg4[%dma_wait3A_330, %dma_wait3A_335, %dma_wait3A_336] : memref<50x16384x128xf32, #tpu.memory_space<hbm>> -> memref<1x128x128xf32, #tpu.memory_space<hbm>>
        %dma_wait3A_338 = tpu.memref_squeeze %dma_wait3A_337 : memref<1x128x128xf32, #tpu.memory_space<hbm>> -> memref<128x128xf32, #tpu.memory_space<hbm>>
        tpu.wait_dma2 semaphore(%arg19 : memref<!tpu.dma_semaphore, #tpu.memory_space<semaphore_mem>>) src(%arg9 : memref<128x128xf32, #tpu.memory_space<vmem>>) dst(%dma_wait3A_338 : memref<128x128xf32, #tpu.memory_space<hbm>>)
      } else {
      }
      %add3A_86 = arith.constant 2 : i32
      %add3A_87 = arith.addi %add3A_55, %add3A_86 : i32
      %lt3A = arith.constant 200 : i32
      %lt3A_88 = arith.cmpi slt, %add3A_87, %lt3A : i32
      %convert_element_type3A_89 = arith.extui %lt3A_88 : i1 to i32
      %cond3A_90 = arith.constant 0 : i32
      %cond3A_91 = arith.cmpi ne, %convert_element_type3A_89, %cond3A_90 : i32
      scf.if %cond3A_91 {
        %add3A_330 = arith.constant 2 : i32
        %add3A_331 = arith.addi %add3A_55, %add3A_330 : i32
        %dma_start3A_332 = arith.constant 0 : i32
        %dma_start3A_333 = tpu.memref_slice %arg6[%add3A_331, %dma_start3A_332] : memref<200x128xi32, #tpu.memory_space<vmem>> -> memref<1x128xi32, #tpu.memory_space<vmem>>
        %dma_start3A_334 = tpu.memref_squeeze %dma_start3A_333 : memref<1x128xi32, #tpu.memory_space<vmem>> -> memref<128xi32, #tpu.memory_space<vmem>>
        %dma_start3A_335 = arith.constant 0 : i32
        %dma_start3A_336 = arith.constant 0 : i32
        %dma_start3A_337 = tpu.memref_slice %arg3[%dma_start3A_335, %dma_start3A_336] : memref<1000000x128xf32, #tpu.memory_space<hbm>> -> memref<1000000x128xf32, #tpu.memory_space<hbm>>
        tpu.enqueue_indirect_dma source(%dma_start3A_337 : memref<1000000x128xf32, #tpu.memory_space<hbm>>) target(%arg9 : memref<128x128xf32, #tpu.memory_space<vmem>>) offsets(%dma_start3A_334 : memref<128xi32, #tpu.memory_space<vmem>>) semaphore(%arg14 : memref<!tpu.dma_semaphore, #tpu.memory_space<semaphore_mem>>)
      } else {
      }
      %dma_start3A_92 = arith.constant 0 : i32
      %dma_start3A_93 = tpu.memref_slice %arg4[%select_n3A, %add3A_77, %dma_start3A_92] : memref<50x16384x128xf32, #tpu.memory_space<hbm>> -> memref<1x128x128xf32, #tpu.memory_space<hbm>>
      %dma_start3A_94 = tpu.memref_squeeze %dma_start3A_93 : memref<1x128x128xf32, #tpu.memory_space<hbm>> -> memref<128x128xf32, #tpu.memory_space<hbm>>
      %dma_start3A_95 = arith.constant 0 : i32
      %dma_start3A_96 = tpu.memref_slice %arg4[%select_n3A, %add3A_77, %dma_start3A_95] : memref<50x16384x128xf32, #tpu.memory_space<hbm>> -> memref<1x128x128xf32, #tpu.memory_space<hbm>>
      %dma_start3A_97 = tpu.memref_squeeze %dma_start3A_96 : memref<1x128x128xf32, #tpu.memory_space<hbm>> -> memref<128x128xf32, #tpu.memory_space<hbm>>
      tpu.enqueue_dma source(%arg7 : memref<128x128xf32, #tpu.memory_space<vmem>>) target(%dma_start3A_97 : memref<128x128xf32, #tpu.memory_space<hbm>>) target_semaphore(%arg17 : memref<!tpu.dma_semaphore, #tpu.memory_space<semaphore_mem>>)
      %mul3A_98 = arith.constant 5 : i32
      %mul3A_99 = arith.muli %scan3A_51, %mul3A_98 : i32
      %add3A_100 = arith.constant 1 : i32
      %add3A_101 = arith.addi %mul3A_99, %add3A_100 : i32
      %jit3A_102 = arith.constant 4 : i32
      %div3A_103 = arith.divsi %add3A_101, %jit3A_102 : i32
      %sign3A_104 = arith.constant 0 : i32
      %sign3A_105 = arith.cmpi sgt, %add3A_101, %sign3A_104 : i32
      %sign3A_106 = arith.extui %sign3A_105 : i1 to i32
      %sign3A_107 = arith.constant 0 : i32
      %sign3A_108 = arith.cmpi slt, %add3A_101, %sign3A_107 : i32
      %sign3A_109 = arith.extui %sign3A_108 : i1 to i32
      %sign3A_110 = arith.subi %sign3A_106, %sign3A_109 : i32
      %sign3A_111 = arith.constant 0 : i32
      %sign3A_112 = arith.cmpi sgt, %jit3A_102, %sign3A_111 : i32
      %sign3A_113 = arith.extui %sign3A_112 : i1 to i32
      %sign3A_114 = arith.constant 0 : i32
      %sign3A_115 = arith.cmpi slt, %jit3A_102, %sign3A_114 : i32
      %sign3A_116 = arith.extui %sign3A_115 : i1 to i32
      %sign3A_117 = arith.subi %sign3A_113, %sign3A_116 : i32
      %ne3A_118 = arith.cmpi ne, %sign3A_110, %sign3A_117 : i32
      %rem3A_119 = arith.remsi %add3A_101, %jit3A_102 : i32
      %ne3A_120 = arith.constant 0 : i32
      %ne3A_121 = arith.cmpi ne, %rem3A_119, %ne3A_120 : i32
      %and3A_122 = arith.andi %ne3A_118, %ne3A_121 : i1
      %sub3A_123 = arith.constant 1 : i32
      %sub3A_124 = arith.subi %div3A_103, %sub3A_123 : i32
      %select_n3A_125 = arith.select %and3A_122, %sub3A_124, %div3A_103 : i32
      %mul3A_126 = arith.constant 4 : i32
      %mul3A_127 = arith.muli %select_n3A_125, %mul3A_126 : i32
      %sub3A_128 = arith.subi %add3A_101, %mul3A_127 : i32
      %mul3A_129 = arith.constant 128 : i32
      %mul3A_130 = arith.muli %sub3A_128, %mul3A_129 : i32
      %add3A_131 = arith.addi %mul3A_2, %mul3A_130 : i32
      %dma_wait3A_132 = arith.constant 0 : i32
      %dma_wait3A_133 = tpu.memref_slice %arg6[%add3A_101, %dma_wait3A_132] : memref<200x128xi32, #tpu.memory_space<vmem>> -> memref<1x128xi32, #tpu.memory_space<vmem>>
      %dma_wait3A_134 = tpu.memref_squeeze %dma_wait3A_133 : memref<1x128xi32, #tpu.memory_space<vmem>> -> memref<128xi32, #tpu.memory_space<vmem>>
      %dma_wait3A_135 = arith.constant 0 : i32
      %dma_wait3A_136 = arith.constant 0 : i32
      %dma_wait3A_137 = tpu.memref_slice %arg3[%dma_wait3A_135, %dma_wait3A_136] : memref<1000000x128xf32, #tpu.memory_space<hbm>> -> memref<1000000x128xf32, #tpu.memory_space<hbm>>
      tpu.wait_indirect_dma semaphore(%arg13 : memref<!tpu.dma_semaphore, #tpu.memory_space<semaphore_mem>>) src(%dma_wait3A_137 : memref<1000000x128xf32, #tpu.memory_space<hbm>>) dst(%arg8 : memref<128x128xf32, #tpu.memory_space<vmem>>)
      %ge3A_138 = arith.constant 3 : i32
      %ge3A_139 = arith.cmpi sge, %add3A_101, %ge3A_138 : i32
      %convert_element_type3A_140 = arith.extui %ge3A_139 : i1 to i32
      %cond3A_141 = arith.constant 0 : i32
      %cond3A_142 = arith.cmpi ne, %convert_element_type3A_140, %cond3A_141 : i32
      scf.if %cond3A_142 {
        %dma_wait3A_330 = arith.constant 0 : i32
        %dma_wait3A_331 = arith.constant 0 : i32
        %dma_wait3A_332 = arith.constant 0 : i32
        %dma_wait3A_333 = tpu.memref_slice %arg4[%dma_wait3A_330, %dma_wait3A_331, %dma_wait3A_332] : memref<50x16384x128xf32, #tpu.memory_space<hbm>> -> memref<1x128x128xf32, #tpu.memory_space<hbm>>
        %dma_wait3A_334 = tpu.memref_squeeze %dma_wait3A_333 : memref<1x128x128xf32, #tpu.memory_space<hbm>> -> memref<128x128xf32, #tpu.memory_space<hbm>>
        %dma_wait3A_335 = arith.constant 0 : i32
        %dma_wait3A_336 = arith.constant 0 : i32
        %dma_wait3A_337 = tpu.memref_slice %arg4[%dma_wait3A_330, %dma_wait3A_335, %dma_wait3A_336] : memref<50x16384x128xf32, #tpu.memory_space<hbm>> -> memref<1x128x128xf32, #tpu.memory_space<hbm>>
        %dma_wait3A_338 = tpu.memref_squeeze %dma_wait3A_337 : memref<1x128x128xf32, #tpu.memory_space<hbm>> -> memref<128x128xf32, #tpu.memory_space<hbm>>
        tpu.wait_dma2 semaphore(%arg20 : memref<!tpu.dma_semaphore, #tpu.memory_space<semaphore_mem>>) src(%arg10 : memref<128x128xf32, #tpu.memory_space<vmem>>) dst(%dma_wait3A_338 : memref<128x128xf32, #tpu.memory_space<hbm>>)
      } else {
      }
      %add3A_143 = arith.constant 2 : i32
      %add3A_144 = arith.addi %add3A_101, %add3A_143 : i32
      %lt3A_145 = arith.constant 200 : i32
      %lt3A_146 = arith.cmpi slt, %add3A_144, %lt3A_145 : i32
      %convert_element_type3A_147 = arith.extui %lt3A_146 : i1 to i32
      %cond3A_148 = arith.constant 0 : i32
      %cond3A_149 = arith.cmpi ne, %convert_element_type3A_147, %cond3A_148 : i32
      scf.if %cond3A_149 {
        %add3A_330 = arith.constant 2 : i32
        %add3A_331 = arith.addi %add3A_101, %add3A_330 : i32
        %dma_start3A_332 = arith.constant 0 : i32
        %dma_start3A_333 = tpu.memref_slice %arg6[%add3A_331, %dma_start3A_332] : memref<200x128xi32, #tpu.memory_space<vmem>> -> memref<1x128xi32, #tpu.memory_space<vmem>>
        %dma_start3A_334 = tpu.memref_squeeze %dma_start3A_333 : memref<1x128xi32, #tpu.memory_space<vmem>> -> memref<128xi32, #tpu.memory_space<vmem>>
        %dma_start3A_335 = arith.constant 0 : i32
        %dma_start3A_336 = arith.constant 0 : i32
        %dma_start3A_337 = tpu.memref_slice %arg3[%dma_start3A_335, %dma_start3A_336] : memref<1000000x128xf32, #tpu.memory_space<hbm>> -> memref<1000000x128xf32, #tpu.memory_space<hbm>>
        tpu.enqueue_indirect_dma source(%dma_start3A_337 : memref<1000000x128xf32, #tpu.memory_space<hbm>>) target(%arg10 : memref<128x128xf32, #tpu.memory_space<vmem>>) offsets(%dma_start3A_334 : memref<128xi32, #tpu.memory_space<vmem>>) semaphore(%arg15 : memref<!tpu.dma_semaphore, #tpu.memory_space<semaphore_mem>>)
      } else {
      }
      %dma_start3A_150 = arith.constant 0 : i32
      %dma_start3A_151 = tpu.memref_slice %arg4[%select_n3A_125, %add3A_131, %dma_start3A_150] : memref<50x16384x128xf32, #tpu.memory_space<hbm>> -> memref<1x128x128xf32, #tpu.memory_space<hbm>>
      %dma_start3A_152 = tpu.memref_squeeze %dma_start3A_151 : memref<1x128x128xf32, #tpu.memory_space<hbm>> -> memref<128x128xf32, #tpu.memory_space<hbm>>
      %dma_start3A_153 = arith.constant 0 : i32
      %dma_start3A_154 = tpu.memref_slice %arg4[%select_n3A_125, %add3A_131, %dma_start3A_153] : memref<50x16384x128xf32, #tpu.memory_space<hbm>> -> memref<1x128x128xf32, #tpu.memory_space<hbm>>
      %dma_start3A_155 = tpu.memref_squeeze %dma_start3A_154 : memref<1x128x128xf32, #tpu.memory_space<hbm>> -> memref<128x128xf32, #tpu.memory_space<hbm>>
      tpu.enqueue_dma source(%arg8 : memref<128x128xf32, #tpu.memory_space<vmem>>) target(%dma_start3A_155 : memref<128x128xf32, #tpu.memory_space<hbm>>) target_semaphore(%arg18 : memref<!tpu.dma_semaphore, #tpu.memory_space<semaphore_mem>>)
      %mul3A_156 = arith.constant 5 : i32
      %mul3A_157 = arith.muli %scan3A_51, %mul3A_156 : i32
      %add3A_158 = arith.constant 2 : i32
      %add3A_159 = arith.addi %mul3A_157, %add3A_158 : i32
      %jit3A_160 = arith.constant 4 : i32
      %div3A_161 = arith.divsi %add3A_159, %jit3A_160 : i32
      %sign3A_162 = arith.constant 0 : i32
      %sign3A_163 = arith.cmpi sgt, %add3A_159, %sign3A_162 : i32
      %sign3A_164 = arith.extui %sign3A_163 : i1 to i32
      %sign3A_165 = arith.constant 0 : i32
      %sign3A_166 = arith.cmpi slt, %add3A_159, %sign3A_165 : i32
      %sign3A_167 = arith.extui %sign3A_166 : i1 to i32
      %sign3A_168 = arith.subi %sign3A_164, %sign3A_167 : i32
      %sign3A_169 = arith.constant 0 : i32
      %sign3A_170 = arith.cmpi sgt, %jit3A_160, %sign3A_169 : i32
      %sign3A_171 = arith.extui %sign3A_170 : i1 to i32
      %sign3A_172 = arith.constant 0 : i32
      %sign3A_173 = arith.cmpi slt, %jit3A_160, %sign3A_172 : i32
      %sign3A_174 = arith.extui %sign3A_173 : i1 to i32
      %sign3A_175 = arith.subi %sign3A_171, %sign3A_174 : i32
      %ne3A_176 = arith.cmpi ne, %sign3A_168, %sign3A_175 : i32
      %rem3A_177 = arith.remsi %add3A_159, %jit3A_160 : i32
      %ne3A_178 = arith.constant 0 : i32
      %ne3A_179 = arith.cmpi ne, %rem3A_177, %ne3A_178 : i32
      %and3A_180 = arith.andi %ne3A_176, %ne3A_179 : i1
      %sub3A_181 = arith.constant 1 : i32
      %sub3A_182 = arith.subi %div3A_161, %sub3A_181 : i32
      %select_n3A_183 = arith.select %and3A_180, %sub3A_182, %div3A_161 : i32
      %mul3A_184 = arith.constant 4 : i32
      %mul3A_185 = arith.muli %select_n3A_183, %mul3A_184 : i32
      %sub3A_186 = arith.subi %add3A_159, %mul3A_185 : i32
      %mul3A_187 = arith.constant 128 : i32
      %mul3A_188 = arith.muli %sub3A_186, %mul3A_187 : i32
      %add3A_189 = arith.addi %mul3A_2, %mul3A_188 : i32
      %dma_wait3A_190 = arith.constant 0 : i32
      %dma_wait3A_191 = tpu.memref_slice %arg6[%add3A_159, %dma_wait3A_190] : memref<200x128xi32, #tpu.memory_space<vmem>> -> memref<1x128xi32, #tpu.memory_space<vmem>>
      %dma_wait3A_192 = tpu.memref_squeeze %dma_wait3A_191 : memref<1x128xi32, #tpu.memory_space<vmem>> -> memref<128xi32, #tpu.memory_space<vmem>>
      %dma_wait3A_193 = arith.constant 0 : i32
      %dma_wait3A_194 = arith.constant 0 : i32
      %dma_wait3A_195 = tpu.memref_slice %arg3[%dma_wait3A_193, %dma_wait3A_194] : memref<1000000x128xf32, #tpu.memory_space<hbm>> -> memref<1000000x128xf32, #tpu.memory_space<hbm>>
      tpu.wait_indirect_dma semaphore(%arg14 : memref<!tpu.dma_semaphore, #tpu.memory_space<semaphore_mem>>) src(%dma_wait3A_195 : memref<1000000x128xf32, #tpu.memory_space<hbm>>) dst(%arg9 : memref<128x128xf32, #tpu.memory_space<vmem>>)
      %ge3A_196 = arith.constant 3 : i32
      %ge3A_197 = arith.cmpi sge, %add3A_159, %ge3A_196 : i32
      %convert_element_type3A_198 = arith.extui %ge3A_197 : i1 to i32
      %cond3A_199 = arith.constant 0 : i32
      %cond3A_200 = arith.cmpi ne, %convert_element_type3A_198, %cond3A_199 : i32
      scf.if %cond3A_200 {
        %dma_wait3A_330 = arith.constant 0 : i32
        %dma_wait3A_331 = arith.constant 0 : i32
        %dma_wait3A_332 = arith.constant 0 : i32
        %dma_wait3A_333 = tpu.memref_slice %arg4[%dma_wait3A_330, %dma_wait3A_331, %dma_wait3A_332] : memref<50x16384x128xf32, #tpu.memory_space<hbm>> -> memref<1x128x128xf32, #tpu.memory_space<hbm>>
        %dma_wait3A_334 = tpu.memref_squeeze %dma_wait3A_333 : memref<1x128x128xf32, #tpu.memory_space<hbm>> -> memref<128x128xf32, #tpu.memory_space<hbm>>
        %dma_wait3A_335 = arith.constant 0 : i32
        %dma_wait3A_336 = arith.constant 0 : i32
        %dma_wait3A_337 = tpu.memref_slice %arg4[%dma_wait3A_330, %dma_wait3A_335, %dma_wait3A_336] : memref<50x16384x128xf32, #tpu.memory_space<hbm>> -> memref<1x128x128xf32, #tpu.memory_space<hbm>>
        %dma_wait3A_338 = tpu.memref_squeeze %dma_wait3A_337 : memref<1x128x128xf32, #tpu.memory_space<hbm>> -> memref<128x128xf32, #tpu.memory_space<hbm>>
        tpu.wait_dma2 semaphore(%arg21 : memref<!tpu.dma_semaphore, #tpu.memory_space<semaphore_mem>>) src(%arg11 : memref<128x128xf32, #tpu.memory_space<vmem>>) dst(%dma_wait3A_338 : memref<128x128xf32, #tpu.memory_space<hbm>>)
      } else {
      }
      %add3A_201 = arith.constant 2 : i32
      %add3A_202 = arith.addi %add3A_159, %add3A_201 : i32
      %lt3A_203 = arith.constant 200 : i32
      %lt3A_204 = arith.cmpi slt, %add3A_202, %lt3A_203 : i32
      %convert_element_type3A_205 = arith.extui %lt3A_204 : i1 to i32
      %cond3A_206 = arith.constant 0 : i32
      %cond3A_207 = arith.cmpi ne, %convert_element_type3A_205, %cond3A_206 : i32
      scf.if %cond3A_207 {
        %add3A_330 = arith.constant 2 : i32
        %add3A_331 = arith.addi %add3A_159, %add3A_330 : i32
        %dma_start3A_332 = arith.constant 0 : i32
        %dma_start3A_333 = tpu.memref_slice %arg6[%add3A_331, %dma_start3A_332] : memref<200x128xi32, #tpu.memory_space<vmem>> -> memref<1x128xi32, #tpu.memory_space<vmem>>
        %dma_start3A_334 = tpu.memref_squeeze %dma_start3A_333 : memref<1x128xi32, #tpu.memory_space<vmem>> -> memref<128xi32, #tpu.memory_space<vmem>>
        %dma_start3A_335 = arith.constant 0 : i32
        %dma_start3A_336 = arith.constant 0 : i32
        %dma_start3A_337 = tpu.memref_slice %arg3[%dma_start3A_335, %dma_start3A_336] : memref<1000000x128xf32, #tpu.memory_space<hbm>> -> memref<1000000x128xf32, #tpu.memory_space<hbm>>
        tpu.enqueue_indirect_dma source(%dma_start3A_337 : memref<1000000x128xf32, #tpu.memory_space<hbm>>) target(%arg11 : memref<128x128xf32, #tpu.memory_space<vmem>>) offsets(%dma_start3A_334 : memref<128xi32, #tpu.memory_space<vmem>>) semaphore(%arg16 : memref<!tpu.dma_semaphore, #tpu.memory_space<semaphore_mem>>)
      } else {
      }
      %dma_start3A_208 = arith.constant 0 : i32
      %dma_start3A_209 = tpu.memref_slice %arg4[%select_n3A_183, %add3A_189, %dma_start3A_208] : memref<50x16384x128xf32, #tpu.memory_space<hbm>> -> memref<1x128x128xf32, #tpu.memory_space<hbm>>
      %dma_start3A_210 = tpu.memref_squeeze %dma_start3A_209 : memref<1x128x128xf32, #tpu.memory_space<hbm>> -> memref<128x128xf32, #tpu.memory_space<hbm>>
      %dma_start3A_211 = arith.constant 0 : i32
      %dma_start3A_212 = tpu.memref_slice %arg4[%select_n3A_183, %add3A_189, %dma_start3A_211] : memref<50x16384x128xf32, #tpu.memory_space<hbm>> -> memref<1x128x128xf32, #tpu.memory_space<hbm>>
      %dma_start3A_213 = tpu.memref_squeeze %dma_start3A_212 : memref<1x128x128xf32, #tpu.memory_space<hbm>> -> memref<128x128xf32, #tpu.memory_space<hbm>>
      tpu.enqueue_dma source(%arg9 : memref<128x128xf32, #tpu.memory_space<vmem>>) target(%dma_start3A_213 : memref<128x128xf32, #tpu.memory_space<hbm>>) target_semaphore(%arg19 : memref<!tpu.dma_semaphore, #tpu.memory_space<semaphore_mem>>)
      %mul3A_214 = arith.constant 5 : i32
      %mul3A_215 = arith.muli %scan3A_51, %mul3A_214 : i32
      %add3A_216 = arith.constant 3 : i32
      %add3A_217 = arith.addi %mul3A_215, %add3A_216 : i32
      %jit3A_218 = arith.constant 4 : i32
      %div3A_219 = arith.divsi %add3A_217, %jit3A_218 : i32
      %sign3A_220 = arith.constant 0 : i32
      %sign3A_221 = arith.cmpi sgt, %add3A_217, %sign3A_220 : i32
      %sign3A_222 = arith.extui %sign3A_221 : i1 to i32
      %sign3A_223 = arith.constant 0 : i32
      %sign3A_224 = arith.cmpi slt, %add3A_217, %sign3A_223 : i32
      %sign3A_225 = arith.extui %sign3A_224 : i1 to i32
      %sign3A_226 = arith.subi %sign3A_222, %sign3A_225 : i32
      %sign3A_227 = arith.constant 0 : i32
      %sign3A_228 = arith.cmpi sgt, %jit3A_218, %sign3A_227 : i32
      %sign3A_229 = arith.extui %sign3A_228 : i1 to i32
      %sign3A_230 = arith.constant 0 : i32
      %sign3A_231 = arith.cmpi slt, %jit3A_218, %sign3A_230 : i32
      %sign3A_232 = arith.extui %sign3A_231 : i1 to i32
      %sign3A_233 = arith.subi %sign3A_229, %sign3A_232 : i32
      %ne3A_234 = arith.cmpi ne, %sign3A_226, %sign3A_233 : i32
      %rem3A_235 = arith.remsi %add3A_217, %jit3A_218 : i32
      %ne3A_236 = arith.constant 0 : i32
      %ne3A_237 = arith.cmpi ne, %rem3A_235, %ne3A_236 : i32
      %and3A_238 = arith.andi %ne3A_234, %ne3A_237 : i1
      %sub3A_239 = arith.constant 1 : i32
      %sub3A_240 = arith.subi %div3A_219, %sub3A_239 : i32
      %select_n3A_241 = arith.select %and3A_238, %sub3A_240, %div3A_219 : i32
      %mul3A_242 = arith.constant 4 : i32
      %mul3A_243 = arith.muli %select_n3A_241, %mul3A_242 : i32
      %sub3A_244 = arith.subi %add3A_217, %mul3A_243 : i32
      %mul3A_245 = arith.constant 128 : i32
      %mul3A_246 = arith.muli %sub3A_244, %mul3A_245 : i32
      %add3A_247 = arith.addi %mul3A_2, %mul3A_246 : i32
      %dma_wait3A_248 = arith.constant 0 : i32
      %dma_wait3A_249 = tpu.memref_slice %arg6[%add3A_217, %dma_wait3A_248] : memref<200x128xi32, #tpu.memory_space<vmem>> -> memref<1x128xi32, #tpu.memory_space<vmem>>
      %dma_wait3A_250 = tpu.memref_squeeze %dma_wait3A_249 : memref<1x128xi32, #tpu.memory_space<vmem>> -> memref<128xi32, #tpu.memory_space<vmem>>
      %dma_wait3A_251 = arith.constant 0 : i32
      %dma_wait3A_252 = arith.constant 0 : i32
      %dma_wait3A_253 = tpu.memref_slice %arg3[%dma_wait3A_251, %dma_wait3A_252] : memref<1000000x128xf32, #tpu.memory_space<hbm>> -> memref<1000000x128xf32, #tpu.memory_space<hbm>>
      tpu.wait_indirect_dma semaphore(%arg15 : memref<!tpu.dma_semaphore, #tpu.memory_space<semaphore_mem>>) src(%dma_wait3A_253 : memref<1000000x128xf32, #tpu.memory_space<hbm>>) dst(%arg10 : memref<128x128xf32, #tpu.memory_space<vmem>>)
      %ge3A_254 = arith.constant 3 : i32
      %ge3A_255 = arith.cmpi sge, %add3A_217, %ge3A_254 : i32
      %convert_element_type3A_256 = arith.extui %ge3A_255 : i1 to i32
      %cond3A_257 = arith.constant 0 : i32
      %cond3A_258 = arith.cmpi ne, %convert_element_type3A_256, %cond3A_257 : i32
      scf.if %cond3A_258 {
        %dma_wait3A_330 = arith.constant 0 : i32
        %dma_wait3A_331 = arith.constant 0 : i32
        %dma_wait3A_332 = arith.constant 0 : i32
        %dma_wait3A_333 = tpu.memref_slice %arg4[%dma_wait3A_330, %dma_wait3A_331, %dma_wait3A_332] : memref<50x16384x128xf32, #tpu.memory_space<hbm>> -> memref<1x128x128xf32, #tpu.memory_space<hbm>>
        %dma_wait3A_334 = tpu.memref_squeeze %dma_wait3A_333 : memref<1x128x128xf32, #tpu.memory_space<hbm>> -> memref<128x128xf32, #tpu.memory_space<hbm>>
        %dma_wait3A_335 = arith.constant 0 : i32
        %dma_wait3A_336 = arith.constant 0 : i32
        %dma_wait3A_337 = tpu.memref_slice %arg4[%dma_wait3A_330, %dma_wait3A_335, %dma_wait3A_336] : memref<50x16384x128xf32, #tpu.memory_space<hbm>> -> memref<1x128x128xf32, #tpu.memory_space<hbm>>
        %dma_wait3A_338 = tpu.memref_squeeze %dma_wait3A_337 : memref<1x128x128xf32, #tpu.memory_space<hbm>> -> memref<128x128xf32, #tpu.memory_space<hbm>>
        tpu.wait_dma2 semaphore(%arg17 : memref<!tpu.dma_semaphore, #tpu.memory_space<semaphore_mem>>) src(%arg7 : memref<128x128xf32, #tpu.memory_space<vmem>>) dst(%dma_wait3A_338 : memref<128x128xf32, #tpu.memory_space<hbm>>)
      } else {
      }
      %add3A_259 = arith.constant 2 : i32
      %add3A_260 = arith.addi %add3A_217, %add3A_259 : i32
      %lt3A_261 = arith.constant 200 : i32
      %lt3A_262 = arith.cmpi slt, %add3A_260, %lt3A_261 : i32
      %convert_element_type3A_263 = arith.extui %lt3A_262 : i1 to i32
      %cond3A_264 = arith.constant 0 : i32
      %cond3A_265 = arith.cmpi ne, %convert_element_type3A_263, %cond3A_264 : i32
      scf.if %cond3A_265 {
        %add3A_330 = arith.constant 2 : i32
        %add3A_331 = arith.addi %add3A_217, %add3A_330 : i32
        %dma_start3A_332 = arith.constant 0 : i32
        %dma_start3A_333 = tpu.memref_slice %arg6[%add3A_331, %dma_start3A_332] : memref<200x128xi32, #tpu.memory_space<vmem>> -> memref<1x128xi32, #tpu.memory_space<vmem>>
        %dma_start3A_334 = tpu.memref_squeeze %dma_start3A_333 : memref<1x128xi32, #tpu.memory_space<vmem>> -> memref<128xi32, #tpu.memory_space<vmem>>
        %dma_start3A_335 = arith.constant 0 : i32
        %dma_start3A_336 = arith.constant 0 : i32
        %dma_start3A_337 = tpu.memref_slice %arg3[%dma_start3A_335, %dma_start3A_336] : memref<1000000x128xf32, #tpu.memory_space<hbm>> -> memref<1000000x128xf32, #tpu.memory_space<hbm>>
        tpu.enqueue_indirect_dma source(%dma_start3A_337 : memref<1000000x128xf32, #tpu.memory_space<hbm>>) target(%arg7 : memref<128x128xf32, #tpu.memory_space<vmem>>) offsets(%dma_start3A_334 : memref<128xi32, #tpu.memory_space<vmem>>) semaphore(%arg12 : memref<!tpu.dma_semaphore, #tpu.memory_space<semaphore_mem>>)
      } else {
      }
      %dma_start3A_266 = arith.constant 0 : i32
      %dma_start3A_267 = tpu.memref_slice %arg4[%select_n3A_241, %add3A_247, %dma_start3A_266] : memref<50x16384x128xf32, #tpu.memory_space<hbm>> -> memref<1x128x128xf32, #tpu.memory_space<hbm>>
      %dma_start3A_268 = tpu.memref_squeeze %dma_start3A_267 : memref<1x128x128xf32, #tpu.memory_space<hbm>> -> memref<128x128xf32, #tpu.memory_space<hbm>>
      %dma_start3A_269 = arith.constant 0 : i32
      %dma_start3A_270 = tpu.memref_slice %arg4[%select_n3A_241, %add3A_247, %dma_start3A_269] : memref<50x16384x128xf32, #tpu.memory_space<hbm>> -> memref<1x128x128xf32, #tpu.memory_space<hbm>>
      %dma_start3A_271 = tpu.memref_squeeze %dma_start3A_270 : memref<1x128x128xf32, #tpu.memory_space<hbm>> -> memref<128x128xf32, #tpu.memory_space<hbm>>
      tpu.enqueue_dma source(%arg10 : memref<128x128xf32, #tpu.memory_space<vmem>>) target(%dma_start3A_271 : memref<128x128xf32, #tpu.memory_space<hbm>>) target_semaphore(%arg20 : memref<!tpu.dma_semaphore, #tpu.memory_space<semaphore_mem>>)
      %mul3A_272 = arith.constant 5 : i32
      %mul3A_273 = arith.muli %scan3A_51, %mul3A_272 : i32
      %add3A_274 = arith.constant 4 : i32
      %add3A_275 = arith.addi %mul3A_273, %add3A_274 : i32
      %jit3A_276 = arith.constant 4 : i32
      %div3A_277 = arith.divsi %add3A_275, %jit3A_276 : i32
      %sign3A_278 = arith.constant 0 : i32
      %sign3A_279 = arith.cmpi sgt, %add3A_275, %sign3A_278 : i32
      %sign3A_280 = arith.extui %sign3A_279 : i1 to i32
      %sign3A_281 = arith.constant 0 : i32
      %sign3A_282 = arith.cmpi slt, %add3A_275, %sign3A_281 : i32
      %sign3A_283 = arith.extui %sign3A_282 : i1 to i32
      %sign3A_284 = arith.subi %sign3A_280, %sign3A_283 : i32
      %sign3A_285 = arith.constant 0 : i32
      %sign3A_286 = arith.cmpi sgt, %jit3A_276, %sign3A_285 : i32
      %sign3A_287 = arith.extui %sign3A_286 : i1 to i32
      %sign3A_288 = arith.constant 0 : i32
      %sign3A_289 = arith.cmpi slt, %jit3A_276, %sign3A_288 : i32
      %sign3A_290 = arith.extui %sign3A_289 : i1 to i32
      %sign3A_291 = arith.subi %sign3A_287, %sign3A_290 : i32
      %ne3A_292 = arith.cmpi ne, %sign3A_284, %sign3A_291 : i32
      %rem3A_293 = arith.remsi %add3A_275, %jit3A_276 : i32
      %ne3A_294 = arith.constant 0 : i32
      %ne3A_295 = arith.cmpi ne, %rem3A_293, %ne3A_294 : i32
      %and3A_296 = arith.andi %ne3A_292, %ne3A_295 : i1
      %sub3A_297 = arith.constant 1 : i32
      %sub3A_298 = arith.subi %div3A_277, %sub3A_297 : i32
      %select_n3A_299 = arith.select %and3A_296, %sub3A_298, %div3A_277 : i32
      %mul3A_300 = arith.constant 4 : i32
      %mul3A_301 = arith.muli %select_n3A_299, %mul3A_300 : i32
      %sub3A_302 = arith.subi %add3A_275, %mul3A_301 : i32
      %mul3A_303 = arith.constant 128 : i32
      %mul3A_304 = arith.muli %sub3A_302, %mul3A_303 : i32
      %add3A_305 = arith.addi %mul3A_2, %mul3A_304 : i32
      %dma_wait3A_306 = arith.constant 0 : i32
      %dma_wait3A_307 = tpu.memref_slice %arg6[%add3A_275, %dma_wait3A_306] : memref<200x128xi32, #tpu.memory_space<vmem>> -> memref<1x128xi32, #tpu.memory_space<vmem>>
      %dma_wait3A_308 = tpu.memref_squeeze %dma_wait3A_307 : memref<1x128xi32, #tpu.memory_space<vmem>> -> memref<128xi32, #tpu.memory_space<vmem>>
      %dma_wait3A_309 = arith.constant 0 : i32
      %dma_wait3A_310 = arith.constant 0 : i32
      %dma_wait3A_311 = tpu.memref_slice %arg3[%dma_wait3A_309, %dma_wait3A_310] : memref<1000000x128xf32, #tpu.memory_space<hbm>> -> memref<1000000x128xf32, #tpu.memory_space<hbm>>
      tpu.wait_indirect_dma semaphore(%arg16 : memref<!tpu.dma_semaphore, #tpu.memory_space<semaphore_mem>>) src(%dma_wait3A_311 : memref<1000000x128xf32, #tpu.memory_space<hbm>>) dst(%arg11 : memref<128x128xf32, #tpu.memory_space<vmem>>)
      %ge3A_312 = arith.constant 3 : i32
      %ge3A_313 = arith.cmpi sge, %add3A_275, %ge3A_312 : i32
      %convert_element_type3A_314 = arith.extui %ge3A_313 : i1 to i32
      %cond3A_315 = arith.constant 0 : i32
      %cond3A_316 = arith.cmpi ne, %convert_element_type3A_314, %cond3A_315 : i32
      scf.if %cond3A_316 {
        %dma_wait3A_330 = arith.constant 0 : i32
        %dma_wait3A_331 = arith.constant 0 : i32
        %dma_wait3A_332 = arith.constant 0 : i32
        %dma_wait3A_333 = tpu.memref_slice %arg4[%dma_wait3A_330, %dma_wait3A_331, %dma_wait3A_332] : memref<50x16384x128xf32, #tpu.memory_space<hbm>> -> memref<1x128x128xf32, #tpu.memory_space<hbm>>
        %dma_wait3A_334 = tpu.memref_squeeze %dma_wait3A_333 : memref<1x128x128xf32, #tpu.memory_space<hbm>> -> memref<128x128xf32, #tpu.memory_space<hbm>>
        %dma_wait3A_335 = arith.constant 0 : i32
        %dma_wait3A_336 = arith.constant 0 : i32
        %dma_wait3A_337 = tpu.memref_slice %arg4[%dma_wait3A_330, %dma_wait3A_335, %dma_wait3A_336] : memref<50x16384x128xf32, #tpu.memory_space<hbm>> -> memref<1x128x128xf32, #tpu.memory_space<hbm>>
        %dma_wait3A_338 = tpu.memref_squeeze %dma_wait3A_337 : memref<1x128x128xf32, #tpu.memory_space<hbm>> -> memref<128x128xf32, #tpu.memory_space<hbm>>
        tpu.wait_dma2 semaphore(%arg18 : memref<!tpu.dma_semaphore, #tpu.memory_space<semaphore_mem>>) src(%arg8 : memref<128x128xf32, #tpu.memory_space<vmem>>) dst(%dma_wait3A_338 : memref<128x128xf32, #tpu.memory_space<hbm>>)
      } else {
      }
      %add3A_317 = arith.constant 2 : i32
      %add3A_318 = arith.addi %add3A_275, %add3A_317 : i32
      %lt3A_319 = arith.constant 200 : i32
      %lt3A_320 = arith.cmpi slt, %add3A_318, %lt3A_319 : i32
      %convert_element_type3A_321 = arith.extui %lt3A_320 : i1 to i32
      %cond3A_322 = arith.constant 0 : i32
      %cond3A_323 = arith.cmpi ne, %convert_element_type3A_321, %cond3A_322 : i32
      scf.if %cond3A_323 {
        %add3A_330 = arith.constant 2 : i32
        %add3A_331 = arith.addi %add3A_275, %add3A_330 : i32
        %dma_start3A_332 = arith.constant 0 : i32
        %dma_start3A_333 = tpu.memref_slice %arg6[%add3A_331, %dma_start3A_332] : memref<200x128xi32, #tpu.memory_space<vmem>> -> memref<1x128xi32, #tpu.memory_space<vmem>>
        %dma_start3A_334 = tpu.memref_squeeze %dma_start3A_333 : memref<1x128xi32, #tpu.memory_space<vmem>> -> memref<128xi32, #tpu.memory_space<vmem>>
        %dma_start3A_335 = arith.constant 0 : i32
        %dma_start3A_336 = arith.constant 0 : i32
        %dma_start3A_337 = tpu.memref_slice %arg3[%dma_start3A_335, %dma_start3A_336] : memref<1000000x128xf32, #tpu.memory_space<hbm>> -> memref<1000000x128xf32, #tpu.memory_space<hbm>>
        tpu.enqueue_indirect_dma source(%dma_start3A_337 : memref<1000000x128xf32, #tpu.memory_space<hbm>>) target(%arg8 : memref<128x128xf32, #tpu.memory_space<vmem>>) offsets(%dma_start3A_334 : memref<128xi32, #tpu.memory_space<vmem>>) semaphore(%arg13 : memref<!tpu.dma_semaphore, #tpu.memory_space<semaphore_mem>>)
      } else {
      }
      %dma_start3A_324 = arith.constant 0 : i32
      %dma_start3A_325 = tpu.memref_slice %arg4[%select_n3A_299, %add3A_305, %dma_start3A_324] : memref<50x16384x128xf32, #tpu.memory_space<hbm>> -> memref<1x128x128xf32, #tpu.memory_space<hbm>>
      %dma_start3A_326 = tpu.memref_squeeze %dma_start3A_325 : memref<1x128x128xf32, #tpu.memory_space<hbm>> -> memref<128x128xf32, #tpu.memory_space<hbm>>
      %dma_start3A_327 = arith.constant 0 : i32
      %dma_start3A_328 = tpu.memref_slice %arg4[%select_n3A_299, %add3A_305, %dma_start3A_327] : memref<50x16384x128xf32, #tpu.memory_space<hbm>> -> memref<1x128x128xf32, #tpu.memory_space<hbm>>
      %dma_start3A_329 = tpu.memref_squeeze %dma_start3A_328 : memref<1x128x128xf32, #tpu.memory_space<hbm>> -> memref<128x128xf32, #tpu.memory_space<hbm>>
      tpu.enqueue_dma source(%arg11 : memref<128x128xf32, #tpu.memory_space<vmem>>) target(%dma_start3A_329 : memref<128x128xf32, #tpu.memory_space<hbm>>) target_semaphore(%arg21 : memref<!tpu.dma_semaphore, #tpu.memory_space<semaphore_mem>>)
    }
    %scan3A_24 = arith.constant 40 : i32
    %dma_wait3A = arith.constant 0 : i32
    %dma_wait3A_25 = arith.constant 0 : i32
    %dma_wait3A_26 = arith.constant 0 : i32
    %dma_wait3A_27 = tpu.memref_slice %arg4[%dma_wait3A, %dma_wait3A_25, %dma_wait3A_26] : memref<50x16384x128xf32, #tpu.memory_space<hbm>> -> memref<1x128x128xf32, #tpu.memory_space<hbm>>
    %dma_wait3A_28 = tpu.memref_squeeze %dma_wait3A_27 : memref<1x128x128xf32, #tpu.memory_space<hbm>> -> memref<128x128xf32, #tpu.memory_space<hbm>>
    %dma_wait3A_29 = arith.constant 0 : i32
    %dma_wait3A_30 = arith.constant 0 : i32
    %dma_wait3A_31 = tpu.memref_slice %arg4[%dma_wait3A, %dma_wait3A_29, %dma_wait3A_30] : memref<50x16384x128xf32, #tpu.memory_space<hbm>> -> memref<1x128x128xf32, #tpu.memory_space<hbm>>
    %dma_wait3A_32 = tpu.memref_squeeze %dma_wait3A_31 : memref<1x128x128xf32, #tpu.memory_space<hbm>> -> memref<128x128xf32, #tpu.memory_space<hbm>>
    tpu.wait_dma2 semaphore(%arg19 : memref<!tpu.dma_semaphore, #tpu.memory_space<semaphore_mem>>) src(%arg9 : memref<128x128xf32, #tpu.memory_space<vmem>>) dst(%dma_wait3A_32 : memref<128x128xf32, #tpu.memory_space<hbm>>)
    %dma_wait3A_33 = arith.constant 0 : i32
    %dma_wait3A_34 = arith.constant 0 : i32
    %dma_wait3A_35 = arith.constant 0 : i32
    %dma_wait3A_36 = tpu.memref_slice %arg4[%dma_wait3A_33, %dma_wait3A_34, %dma_wait3A_35] : memref<50x16384x128xf32, #tpu.memory_space<hbm>> -> memref<1x128x128xf32, #tpu.memory_space<hbm>>
    %dma_wait3A_37 = tpu.memref_squeeze %dma_wait3A_36 : memref<1x128x128xf32, #tpu.memory_space<hbm>> -> memref<128x128xf32, #tpu.memory_space<hbm>>
    %dma_wait3A_38 = arith.constant 0 : i32
    %dma_wait3A_39 = arith.constant 0 : i32
    %dma_wait3A_40 = tpu.memref_slice %arg4[%dma_wait3A_33, %dma_wait3A_38, %dma_wait3A_39] : memref<50x16384x128xf32, #tpu.memory_space<hbm>> -> memref<1x128x128xf32, #tpu.memory_space<hbm>>
    %dma_wait3A_41 = tpu.memref_squeeze %dma_wait3A_40 : memref<1x128x128xf32, #tpu.memory_space<hbm>> -> memref<128x128xf32, #tpu.memory_space<hbm>>
    tpu.wait_dma2 semaphore(%arg20 : memref<!tpu.dma_semaphore, #tpu.memory_space<semaphore_mem>>) src(%arg10 : memref<128x128xf32, #tpu.memory_space<vmem>>) dst(%dma_wait3A_41 : memref<128x128xf32, #tpu.memory_space<hbm>>)
    %dma_wait3A_42 = arith.constant 0 : i32
    %dma_wait3A_43 = arith.constant 0 : i32
    %dma_wait3A_44 = arith.constant 0 : i32
    %dma_wait3A_45 = tpu.memref_slice %arg4[%dma_wait3A_42, %dma_wait3A_43, %dma_wait3A_44] : memref<50x16384x128xf32, #tpu.memory_space<hbm>> -> memref<1x128x128xf32, #tpu.memory_space<hbm>>
    %dma_wait3A_46 = tpu.memref_squeeze %dma_wait3A_45 : memref<1x128x128xf32, #tpu.memory_space<hbm>> -> memref<128x128xf32, #tpu.memory_space<hbm>>
    %dma_wait3A_47 = arith.constant 0 : i32
    %dma_wait3A_48 = arith.constant 0 : i32
    %dma_wait3A_49 = tpu.memref_slice %arg4[%dma_wait3A_42, %dma_wait3A_47, %dma_wait3A_48] : memref<50x16384x128xf32, #tpu.memory_space<hbm>> -> memref<1x128x128xf32, #tpu.memory_space<hbm>>
    %dma_wait3A_50 = tpu.memref_squeeze %dma_wait3A_49 : memref<1x128x128xf32, #tpu.memory_space<hbm>> -> memref<128x128xf32, #tpu.memory_space<hbm>>
    tpu.wait_dma2 semaphore(%arg21 : memref<!tpu.dma_semaphore, #tpu.memory_space<semaphore_mem>>) src(%arg11 : memref<128x128xf32, #tpu.memory_space<vmem>>) dst(%dma_wait3A_50 : memref<128x128xf32, #tpu.memory_space<hbm>>)
    return
  }
}

module attributes {stable_mosaic.version = 14 : i64} {
  func.func @_fix_body(%arg0: memref<1x1xi32, #tpu.memory_space<smem>>, %arg1: memref<50x16384x128xf32, #tpu.memory_space<any>>, %arg2: memref<50x16384x128xf32, #tpu.memory_space<any>>, %arg3: memref<2048x128xf32, #tpu.memory_space<vmem>>, %arg4: memref<!tpu.dma_semaphore, #tpu.memory_space<semaphore_mem>>) attributes {dimension_semantics = [], scalar_prefetch = 0 : i64, scratch_operands = 2 : i64, tpu.core_type = #tpu.core_type<tc>} {
    %get3A = arith.constant 0 : index
    %get3A_0 = arith.constant 0 : index
    %get3A_1 = memref.load %arg0[%get3A, %get3A_0] : memref<1x1xi32, #tpu.memory_space<smem>>
    %ne3A = arith.constant 0 : i32
    %ne3A_2 = arith.cmpi ne, %get3A_1, %ne3A : i32
    %convert_element_type3A = arith.extui %ne3A_2 : i1 to i32
    %cond3A = arith.constant 0 : i32
    %cond3A_3 = arith.cmpi ne, %convert_element_type3A, %cond3A : i32
    scf.if %cond3A_3 {
      %scan3A = arith.constant 0 : i32
      %scan3A_4 = arith.constant 400 : i32
      %scan3A_5 = arith.addi %scan3A, %scan3A_4 : i32
      %scan3A_6 = arith.constant 1 : i32
      scf.for %scan3A_8 = %scan3A to %scan3A_5 step %scan3A_6  : i32 {
        %jit3A = arith.constant 8 : i32
        %div3A = arith.divsi %scan3A_8, %jit3A : i32
        %sign3A = arith.constant 0 : i32
        %sign3A_9 = arith.cmpi sgt, %scan3A_8, %sign3A : i32
        %sign3A_10 = arith.extui %sign3A_9 : i1 to i32
        %sign3A_11 = arith.constant 0 : i32
        %sign3A_12 = arith.cmpi slt, %scan3A_8, %sign3A_11 : i32
        %sign3A_13 = arith.extui %sign3A_12 : i1 to i32
        %sign3A_14 = arith.subi %sign3A_10, %sign3A_13 : i32
        %sign3A_15 = arith.constant 0 : i32
        %sign3A_16 = arith.cmpi sgt, %jit3A, %sign3A_15 : i32
        %sign3A_17 = arith.extui %sign3A_16 : i1 to i32
        %sign3A_18 = arith.constant 0 : i32
        %sign3A_19 = arith.cmpi slt, %jit3A, %sign3A_18 : i32
        %sign3A_20 = arith.extui %sign3A_19 : i1 to i32
        %sign3A_21 = arith.subi %sign3A_17, %sign3A_20 : i32
        %ne3A_22 = arith.cmpi ne, %sign3A_14, %sign3A_21 : i32
        %rem3A = arith.remsi %scan3A_8, %jit3A : i32
        %ne3A_23 = arith.constant 0 : i32
        %ne3A_24 = arith.cmpi ne, %rem3A, %ne3A_23 : i32
        %and3A = arith.andi %ne3A_22, %ne3A_24 : i1
        %sub3A = arith.constant 1 : i32
        %sub3A_25 = arith.subi %div3A, %sub3A : i32
        %select_n3A = arith.select %and3A, %sub3A_25, %div3A : i32
        %mul3A = arith.constant 8 : i32
        %mul3A_26 = arith.muli %select_n3A, %mul3A : i32
        %sub3A_27 = arith.subi %scan3A_8, %mul3A_26 : i32
        %mul3A_28 = arith.constant 2048 : i32
        %mul3A_29 = arith.muli %sub3A_27, %mul3A_28 : i32
        %dma_start3A = arith.constant 0 : i32
        %dma_start3A_30 = tpu.memref_slice %arg1[%select_n3A, %mul3A_29, %dma_start3A] : memref<50x16384x128xf32, #tpu.memory_space<any>> -> memref<1x2048x128xf32, #tpu.memory_space<any>>
        %dma_start3A_31 = tpu.memref_squeeze %dma_start3A_30 : memref<1x2048x128xf32, #tpu.memory_space<any>> -> memref<2048x128xf32, #tpu.memory_space<any>>
        tpu.enqueue_dma source(%dma_start3A_31 : memref<2048x128xf32, #tpu.memory_space<any>>) target(%arg3 : memref<2048x128xf32, #tpu.memory_space<vmem>>) target_semaphore(%arg4 : memref<!tpu.dma_semaphore, #tpu.memory_space<semaphore_mem>>)
        %dma_wait3A = arith.constant 0 : i32
        %dma_wait3A_32 = tpu.memref_slice %arg1[%select_n3A, %mul3A_29, %dma_wait3A] : memref<50x16384x128xf32, #tpu.memory_space<any>> -> memref<1x2048x128xf32, #tpu.memory_space<any>>
        %dma_wait3A_33 = tpu.memref_squeeze %dma_wait3A_32 : memref<1x2048x128xf32, #tpu.memory_space<any>> -> memref<2048x128xf32, #tpu.memory_space<any>>
        tpu.wait_dma2 semaphore(%arg4 : memref<!tpu.dma_semaphore, #tpu.memory_space<semaphore_mem>>) src(%dma_wait3A_33 : memref<2048x128xf32, #tpu.memory_space<any>>) dst(%arg3 : memref<2048x128xf32, #tpu.memory_space<vmem>>)
        %get3A_34 = arith.constant 0 : index
        %get3A_35 = arith.constant 0 : index
        %get3A_36 = vector.load %arg3[%get3A_34, %get3A_35] : memref<2048x128xf32, #tpu.memory_space<vmem>>, vector<2048x128xf32>
        %mul3A_37 = arith.mulf %get3A_36, %get3A_36 : vector<2048x128xf32>
        %reduce_sum3A = arith.constant dense<0.000000e+00> : vector<2048xf32>
        %reduce_sum3A_38 = vector.multi_reduction <add>, %mul3A_37, %reduce_sum3A [1] : vector<2048x128xf32> to vector<2048xf32>
        %broadcast_in_dim3A = vector.shape_cast %reduce_sum3A_38 : vector<2048xf32> to vector<2048x1xf32>
        %sqrt3A = math.sqrt %broadcast_in_dim3A : vector<2048x1xf32>
        %gt3A = arith.constant 0.999989986 : f32
        %gt3A_39 = vector.broadcast %gt3A : f32 to vector<2048x1xf32>
        %gt3A_40 = arith.cmpf ogt, %sqrt3A, %gt3A_39 : vector<2048x1xf32>
        %div3A_41 = vector.broadcast %sqrt3A : vector<2048x1xf32> to vector<2048x128xf32>
        %div3A_42 = arith.divf %get3A_36, %div3A_41 : vector<2048x128xf32>
        %mul3A_43 = arith.constant 0.999989986 : f32
        %mul3A_44 = vector.broadcast %mul3A_43 : f32 to vector<2048x128xf32>
        %mul3A_45 = arith.mulf %div3A_42, %mul3A_44 : vector<2048x128xf32>
        %broadcast_in_dim3A_46 = vector.shape_cast %gt3A_40 : vector<2048x1xi1> to vector<2048x1xi1>
        %broadcast_in_dim3A_47 = vector.broadcast %broadcast_in_dim3A_46 : vector<2048x1xi1> to vector<2048x128xi1>
        %select_n3A_48 = arith.select %broadcast_in_dim3A_47, %mul3A_45, %get3A_36 : vector<2048x128xi1>, vector<2048x128xf32>
        %swap3A = arith.constant 0 : index
        %swap3A_49 = arith.constant 0 : index
        %swap3A_50 = vector.load %arg3[%swap3A, %swap3A_49] : memref<2048x128xf32, #tpu.memory_space<vmem>>, vector<2048x128xf32>
        tpu.vector_store %arg3[%swap3A, %swap3A_49], %select_n3A_48 {strides = array<i32>} : memref<2048x128xf32, #tpu.memory_space<vmem>>, vector<2048x128xf32>,
        %dma_start3A_51 = arith.constant 0 : i32
        %dma_start3A_52 = tpu.memref_slice %arg1[%select_n3A, %mul3A_29, %dma_start3A_51] : memref<50x16384x128xf32, #tpu.memory_space<any>> -> memref<1x2048x128xf32, #tpu.memory_space<any>>
        %dma_start3A_53 = tpu.memref_squeeze %dma_start3A_52 : memref<1x2048x128xf32, #tpu.memory_space<any>> -> memref<2048x128xf32, #tpu.memory_space<any>>
        tpu.enqueue_dma source(%arg3 : memref<2048x128xf32, #tpu.memory_space<vmem>>) target(%dma_start3A_53 : memref<2048x128xf32, #tpu.memory_space<any>>) target_semaphore(%arg4 : memref<!tpu.dma_semaphore, #tpu.memory_space<semaphore_mem>>)
        %dma_wait3A_54 = arith.constant 0 : i32
        %dma_wait3A_55 = tpu.memref_slice %arg1[%select_n3A, %mul3A_29, %dma_wait3A_54] : memref<50x16384x128xf32, #tpu.memory_space<any>> -> memref<1x2048x128xf32, #tpu.memory_space<any>>
        %dma_wait3A_56 = tpu.memref_squeeze %dma_wait3A_55 : memref<1x2048x128xf32, #tpu.memory_space<any>> -> memref<2048x128xf32, #tpu.memory_space<any>>
        tpu.wait_dma2 semaphore(%arg4 : memref<!tpu.dma_semaphore, #tpu.memory_space<semaphore_mem>>) src(%arg3 : memref<2048x128xf32, #tpu.memory_space<vmem>>) dst(%dma_wait3A_56 : memref<2048x128xf32, #tpu.memory_space<any>>)
      }
      %scan3A_7 = arith.constant 400 : i32
    } else {
    }
    return
  }
}

module attributes {stable_mosaic.version = 14 : i64} {
  func.func @_flag_body(%arg0: i32, %arg1: memref<4000x128xf32, #tpu.memory_space<vmem>>, %arg2: memref<1x1xi32, #tpu.memory_space<smem>>) attributes {dimension_semantics = [#tpu.dimension_semantics<arbitrary>], iteration_bounds = array<i64: 250>, scalar_prefetch = 0 : i64, scratch_operands = 0 : i64, tpu.core_type = #tpu.core_type<tc>, window_params = [{transform_indices = @transform_0, window_bounds = array<i64: 4000, 128>}, {transform_indices = @transform_1, window_bounds = array<i64: 1, 1>}]} {
    %eq3A = arith.constant 0 : i32
    %eq3A_0 = arith.cmpi eq, %arg0, %eq3A : i32
    %convert_element_type3A = arith.extui %eq3A_0 : i1 to i32
    %cond3A = arith.constant 0 : i32
    %cond3A_1 = arith.cmpi ne, %convert_element_type3A, %cond3A : i32
    scf.if %cond3A_1 {
      %swap3A = arith.constant 0 : i32
      %swap3A_12 = arith.constant 0 : index
      %swap3A_13 = arith.constant 0 : index
      %swap3A_14 = memref.load %arg2[%swap3A_12, %swap3A_13] : memref<1x1xi32, #tpu.memory_space<smem>>
      memref.store %swap3A, %arg2[%swap3A_12, %swap3A_13] : memref<1x1xi32, #tpu.memory_space<smem>>
    } else {
    }
    %get3A = arith.constant 0 : index
    %get3A_2 = arith.constant 0 : index
    %get3A_3 = vector.load %arg1[%get3A, %get3A_2] : memref<4000x128xf32, #tpu.memory_space<vmem>>, vector<4000x128xf32>
    %abs3A = math.absf %get3A_3 : vector<4000x128xf32>
    %reduce_max3A = vector.shape_cast %abs3A : vector<4000x128xf32> to vector<1x4000x128xf32>
    %reduce_max3A_4 = arith.constant dense<0xFF800000> : vector<1xf32>
    %reduce_max3A_5 = vector.multi_reduction <maximumf>, %reduce_max3A, %reduce_max3A_4 [1, 2] : vector<1x4000x128xf32> to vector<1xf32>
    %reduce_max3A_6 = vector.shape_cast %reduce_max3A_5 : vector<1xf32> to vector<1x1x1xf32>
    %reduce_max3A_7 = vector.extract %reduce_max3A_6[0, 0, 0] : f32 from vector<1x1x1xf32>
    %gt3A = arith.constant 0.0883786231 : f32
    %gt3A_8 = arith.cmpf ogt, %reduce_max3A_7, %gt3A : f32
    %convert_element_type3A_9 = arith.extui %gt3A_8 : i1 to i32
    %cond3A_10 = arith.constant 0 : i32
    %cond3A_11 = arith.cmpi ne, %convert_element_type3A_9, %cond3A_10 : i32
    scf.if %cond3A_11 {
      %swap3A = arith.constant 1 : i32
      %swap3A_12 = arith.constant 0 : index
      %swap3A_13 = arith.constant 0 : index
      %swap3A_14 = memref.load %arg2[%swap3A_12, %swap3A_13] : memref<1x1xi32, #tpu.memory_space<smem>>
      memref.store %swap3A, %arg2[%swap3A_12, %swap3A_13] : memref<1x1xi32, #tpu.memory_space<smem>>
    } else {
    }
    return
  }
  func.func @transform_0(%arg0: i32) -> (i32, i32) {
    %c0_i32 = arith.constant 0 : i32
    %c0_i32_0 = arith.constant 0 : i32
    return %arg0, %c0_i32 : i32, i32
  }
  func.func @transform_1(%arg0: i32) -> (i32, i32) {
    %c0_i32 = arith.constant 0 : i32
    %c0_i32_0 = arith.constant 0 : i32
    %c0_i32_1 = arith.constant 0 : i32
    return %c0_i32, %c0_i32_0 : i32, i32
  }
}

</mosaic_0001>

<sc_bundles>
// kernel: _impl.5.cloned.1.call-start
scs
__scs_entry_jumppad:
0x0: {  	(pc) =	sbr.rel $0x88, $3  }
0x1: {  	(tag) =	ssettag $0x0;
	lr =	simm.s32 $0x1  }
0x2: {  	[smem:$0x3F9F] =	sst lr;
	_ =	strace $0xD0000000  }
0x3: {  	_ = 	snop  }
0x4: {  	_ = 	snop  }
0x5: {  	_ = 	snop  }
0x6: {  	_ = 	snop  }
0x7: {  	_ = 	snop  }
__scs_overlays_trampoline_lowered:
0x8: {  	[smem:$0x3FAE] =	sst s0  }
0x9: {  	[smem:$0x3FAF] =	sst s1  }
0xa: {  	[smem:$0x3FB0] =	sst s2  }
0xb: {  	[smem:$0x3FB1] =	sst s3  }
0xc: {  	[smem:$0x3FB2] =	sst s4  }
0xd: {  	[smem:$0x3FB3] =	sst s5  }
0xe: {  	[smem:$0x3FB4] =	sst s6  }
0xf: {  	[smem:$0x3FB5] =	sst s7  }
0x10: {  	[smem:$0x3FB6] =	sst s8  }
0x11: {  	[smem:$0x3FB7] =	sst s9;
	s0 =	simm.s32 @!p0 $0x0  }
0x12: {  	s1 =	sld [smem:$0x3F9D];
	s0 =	simm.s32 @p0 $0x1  }
0x13: {  	[smem:$0x3FB8] =	sst s0;
	s0 =	simm.s32 @!p1 $0x0  }
0x14: {  	s2 =	sld [smem:$0x3F9C];
	s0 =	simm.s32 @p1 $0x1  }
0x15: {  	[smem:$0x3FB9] =	sst s0;
	s0 =	simm.s32 @!p2 $0x0  }
0x16: {  	s3 =	sld [smem:$0x3FDB];
	s0 =	simm.s32 @p2 $0x1  }
0x17: {  	s4 =	simm.s32 $0x1BF5;
	[smem:$0x3FBB] =	sst s0  }
0x18: {  	s0 =	sld [smem:$0x3F9E];
	_ =	swait.ge [sflag:s4], $0x0  }
0x19: {  	s7 =	sld [smem:$0x3F9F]  }
0x1a: {  	s8 =	sadd.s32 $0xFFFFE003, lr  }
0x1b: {  	s9 =	sadd.s32 $0xFFFFFEF7, lr;
	s5 =	simm.s32 $0xFFFFFFFF;
	p2 =	slt.u32 s8, $0xFFFFF086  }
0x1c: {  	p1 =	slt.u32 s9, $0xF7A;
	s5 =	simm.s32 @!p2 $0x0  }
0x1d: {  	s5 =	simm.s32 @p1 $0x1;
	p0 =	seq.s32 s7, s2  }
0x1e: {  	s7 =	smul.u32 @!p0 $0xF7A, s2;
	p2 =	seq.s32 @!p0 s5, $0x0  }
0x1f: {  	s9 =	smul.u32 $0xF7A, s1;
	s8 =	simm.s32 @!p0 $0x1BF5;
	p2 =	por !p2, p0  }
0x20: {  	[sflag:s8] =	ssyncset.s32 @!p0 $0xFFFFF086;
	s6 =	sadd.s32 @!p0 s3, s7;
	s7 =	simm.s32 @!p0 $0x108  }
0x21: {  	s3 =	sadd.s32 s3, s9;
	s6 =	sadd.s32 @!p0 $0x88, s6;
	s7 =	simm.s32 @p2 $0x1082  }
0x22: {  	[simem:s7], [sflag:s8] =	dma.local @!p0 [hbm:s6], $0xF7A  }
0x23: {  	s9 =	sor.u32 $0xD0000000, s2;
	s6 =	simm.s32 $0x108;
	_ =	swait.ge @!p0 [sflag:s8], $0x0  }
0x24: {  	s3 =	sadd.s32 $0x88, s3;
	s6 =	simm.s32 @!p1 $0x1082;
	[sflag:s4] =	ssyncset.s32 $0xFFFFF086  }
0x25: {  	[simem:s6], [sflag:s4] =	dma.local [hbm:s3], $0xF7A  }
0x26: {  	[smem:$0x3F9F] =	sst s1;
	(tag) =	ssettag s2;
	_ =	strace s9  }
0x27: {  	s1 =	sld [smem:$0x3FAF]  }
0x28: {  	s2 =	sld [smem:$0x3FB0]  }
0x29: {  	s4 =	sld [smem:$0x3FB2]  }
0x2a: {  	p0 =	seq.s32 s5, $0x0;
	s5 =	sld [smem:$0x3FB3]  }
0x2b: {  	s6 =	sld [smem:$0x3FB4]  }
0x2c: {  	s7 =	sld [smem:$0x3FB5]  }
0x2d: {  	s3 =	simm.s32 $0x108;
	s8 =	sld [smem:$0x3FB6]  }
0x2e: {  	s3 =	simm.s32 @!p0 $0x1082;
	s9 =	sld [smem:$0x3FB7]  }
0x2f: {  	lr =	sadd.s32 s0, s3;
	s0 =	sld [smem:$0x3FAE]  }
0x30: {  	s3 =	sld [smem:$0x3FB1]  }
0x31: {  	[smem:$0x3FBA] =	sst s10  }
0x32: {  	s10 =	sld [smem:$0x3FB8];
	_ =	sdelay $0x3  }
0x33: {  	p0 =	seq.s32 s10, $0x1;
	s10 =	sld [smem:$0x3FBA];
	_ =	sdelay $0x3  }
0x34: {  	[smem:$0x3FBA] =	sst s10  }
0x35: {  	s10 =	sld [smem:$0x3FB9];
	_ =	sdelay $0x3  }
0x36: {  	p1 =	seq.s32 s10, $0x1;
	s10 =	sld [smem:$0x3FBA];
	_ =	sdelay $0x3  }
0x37: {  	[smem:$0x3FBA] =	sst s10  }
0x38: {  	s10 =	sld [smem:$0x3FBB]  }
0x39: {  	_ = 	snop;
	(pc) =	sbr.ind lr, $3  }
0x3a: {  	_ = 	snop  }
0x3b: {  	_ = 	snop  }
0x3c: {  	p2 =	seq.s32 s10, $0x1;
	s10 =	sld [smem:$0x3FBA]  }
0x3d: {  	_ =	shalt  }
0x3e: {  	_ =	shalt  }
0x3f: {  	_ =	shalt  }
0x40: {  	_ =	shalt  }
0x41: {  	_ =	shalt  }
0x42: {  	_ =	shalt  }
0x43: {  	_ =	shalt  }
0x44: {  	_ =	shalt  }
0x45: {  	_ =	shalt  }
0x46: {  	_ =	shalt  }
0x47: {  	_ =	shalt  }
0x48: {  	_ =	shalt  }
0x49: {  	_ =	shalt  }
0x4a: {  	_ =	shalt  }
0x4b: {  	_ =	shalt  }
0x4c: {  	_ =	shalt  }
0x4d: {  	_ =	shalt  }
0x4e: {  	_ =	shalt  }
0x4f: {  	_ =	shalt  }
0x50: {  	_ =	shalt  }
0x51: {  	_ =	shalt  }
0x52: {  	_ =	shalt  }
0x53: {  	_ =	shalt  }
0x54: {  	_ =	shalt  }
0x55: {  	_ =	shalt  }
0x56: {  	_ =	shalt  }
0x57: {  	_ =	shalt  }
0x58: {  	_ =	shalt  }
0x59: {  	_ =	shalt  }
0x5a: {  	_ =	shalt  }
0x5b: {  	_ =	shalt  }
0x5c: {  	_ =	shalt  }
0x5d: {  	_ =	shalt  }
0x5e: {  	_ =	shalt  }
0x5f: {  	_ =	shalt  }
0x60: {  	_ =	shalt  }
0x61: {  	_ =	shalt  }
0x62: {  	_ =	shalt  }
0x63: {  	_ =	shalt  }
0x64: {  	_ =	shalt  }
0x65: {  	_ =	shalt  }
0x66: {  	_ =	shalt  }
0x67: {  	_ =	shalt  }
0x68: {  	_ =	shalt  }
0x69: {  	_ =	shalt  }
0x6a: {  	_ =	shalt  }
0x6b: {  	_ =	shalt  }
0x6c: {  	_ =	shalt  }
0x6d: {  	_ =	shalt  }
0x6e: {  	_ =	shalt  }
0x6f: {  	_ =	shalt  }
0x70: {  	_ =	shalt  }
0x71: {  	_ =	shalt  }
0x72: {  	_ =	shalt  }
0x73: {  	_ =	shalt  }
0x74: {  	_ =	shalt  }
0x75: {  	_ =	shalt  }
0x76: {  	_ =	shalt  }
0x77: {  	_ =	shalt  }
0x78: {  	_ =	shalt  }
0x79: {  	_ =	shalt  }
0x7a: {  	_ =	shalt  }
0x7b: {  	_ =	shalt  }
0x7c: {  	_ =	shalt  }
0x7d: {  	_ =	shalt  }
0x7e: {  	_ =	shalt  }
0x7f: {  	_ =	shalt  }
0x80: {  	_ =	shalt  }
0x81: {  	_ =	shalt  }
0x82: {  	_ =	shalt  }
0x83: {  	_ =	shalt  }
0x84: {  	_ =	shalt  }
0x85: {  	_ =	shalt  }
0x86: {  	_ =	shalt  }
0x87: {  	_ =	shalt  }
.Lfunc_end0:
.L_simem_size_0:
called_computation_lowered:
.L_overlay_start_0:
0x88: {  	s2 =	sld [smem:$0x3FD9]  }
0x89: {  	s3 =	sld [smem:$0x3FFE];
	_ =	sdelay $0x1  }
0x8a: {  	s1 =	srdreg.scid  }
0x8b: {  	s0 =	sand.u32 $0x1, s1  }
0x8c: {  	s17 =	sshll.u32 s0, $0xA;
	s2 =	sadd.s32 s3, s2  }
0x8d: {  	s2 =	sadd.s32 s2, s17  }
0x8e: {  	[smem:$0x3FC6] =	sst s2  }
0x8f: {  	_ = 	snop  }
0x90: {  	s2 =	sld [smem:$0x3FC8]  }
0x91: {  	s18 =	sld [smem:$0x3FD0];
	(tm) =	ssettm $0x1  }
0x92: {  	s4 =	sld [smem:$0x3FFB];
	_ =	sdelay $0x3  }
0x93: {  	_ =	strace s4  }
0x94: {  	s4 =	sld [smem:$0x3FFC];
	_ =	sdelay $0x3  }
0x95: {  	_ =	strace s4  }
0x96: {  	s4 =	sld [smem:$0x3FFD];
	_ =	sdelay $0x3  }
0x97: {  	_ =	strace s4  }
0x98: {  	_ =	strace $0x8FFFFFFF  }
0x99: {  	s19 =	sld [smem:$0x3FDB];
	_ =	sdelay $0x1  }
0x9a: {  	s5 =	simm.s32 $_scs_section_size  }
0x9b: {  	s6 =	simm.s32 $_size__tile_overlayer_lowered;
	s7 =	simm.s32 $_tile_overlayer_lowered  }
0x9c: {  	s22 =	simm.s32 $0x1BFF;
	s21 =	sshll.u32 s7, $0x1;
	s4 =	sadd.s32 s5, s19  }
0x9d: {  	s8 =	simm.s32 $0x0;
	s20 =	sshll.u32 s6, $0x1;
	s6 =	sadd.s32 s21, s4  }
0x9e: {  	[timem:s8], [sflag:s22] =	dma.local [hbm:s6], s20  }
0x9f: {  	_ =	swait.ge [sflag:s22], s20  }
0xa0: {  	s5 =	ssub.s32 $0x0, s20;
	[sflag:s22] =	ssyncset.done $0x0  }
0xa1: {  	[sflag:s22] =	ssyncadd.s32 s5;
	_ =	sdelay $0x1  }
0xa2: {  	s23 =	simm.s32 $0x1B8B  }
0xa3: {  	_ =	swait.ge [sflag:s23], $0x1  }
0xa4: {  	[sflag:s23] =	ssyncset.done $0x0  }
0xa5: {  	s25 =	simm.s32 $0x1B8E;
	s24 =	sld [smem:$0x3FFE];
	[sflag:s23] =	ssyncadd.s32 $0xFFFFFFFF  }
0xa6: {  	s26 =	simm.s32 $execute0_lowered;
	[smem:$0x3FD2] =	sst s25  }
0xa7: {  	s6 =	sshll.u32 s26, $0x1;
	_ =	strace $0x80000046;
	[dreg:$0x1] =	wrdreg $0xFFFFFFFF  }
0xa8: {  	s28 =	simm.s32 $_size_execute0_lowered;
	s4 =	sadd.s32 s4, s6;
	[dreg:$0x0] =	wrdreg $0x0  }
0xa9: {  	s6 =	sshll.u32 s28, $0x1;
	[dreg:$0x2] =	wrdreg s4  }
0xaa: {  	[dreg:$0x3] =	wrdreg s6  }
0xab: {  	[dreg:$0x4] =	wrdreg $0xC0  }
0xac: {  	_ =	task [dreg:s8], $0x5FFFF  }
0xad: {  	[dreg:$0x1] =	wrdreg $0xFFFFFFFF  }
0xae: {  	[dreg:$0x0] =	wrdreg $0x60  }
0xaf: {  	[dreg:$0x2] =	wrdreg s24  }
0xb0: {  	[dreg:$0x3] =	wrdreg s2  }
0xb1: {  	[dreg:$0x4] =	wrdreg s18  }
0xb2: {  	[dreg:$0x5] =	wrdreg $0x9  }
0xb3: {  	_ =	task.clear_ibuf [dreg:s8], $0x6FFFF;
	_ =	strace $0x90000046  }
0xb4: {  	s29 =	simm.s32 $0x9;
	_ =	strace $0x80000048  }
0xb5: {  	_ =	swait.ge [sflag:s29], $0x1  }
0xb6: {  	[sflag:s29] =	ssyncadd.s32 $0xFFFFFFFF  }
0xb7: {  	_ =	strace $0x90000048  }
0xb8: {  	_ =	sfence  }
0xb9: {  	s30 =	sld [smem:$0x0];
	_ =	sdelay $0x2  }
0xba: {  	s31 =	sshll.u32 s1, $0xD;
	s1 =	sshrl.u32 s1, $0x2  }
0xbb: {  	s3 =	sand.u32 $0x4000, s31;
	s1 =	sadd.s32 s1, s30  }
0xbc: {  	s0 =	sor.u32 s3, s0;
	s1 =	sshll.u32 s1, $0x11  }
0xbd: {  	s0 =	sor.u32 s1, s0  }
0xbe: {  	s0 =	sadd.s32 $0x8F2B, s0  }
0xbf: {  	[sflag:s0] =	ssyncadd.remote.s32 $0x1  }
0xc0: {  	_ =	sfence.sel $0xFFFF  }
0xc1: {  	[dreg:$0x0] =	wrdreg $0xFFFFFFFF;
	(pc) =	sbr.abs _section_cstart, $3  }
0xc2: {  	[dreg:$0x1] =	wrdreg $0xFFFFFFFF  }
0xc3: {  	_ =	task.clear_ibuf [dreg:s8], $0x2FFFF;
	_ =	strace $0x9FFFFFFF  }
0xc4: {  	(tm) =	ssettm $0x7FFFFFFF  }
0xc5: {  	_ =	shalt  }
tec
execute0_lowered:
.L_overlay_start_1:
0x0: {  	(tag) =	ssettag $0x1  }
0x1: {  	s0 =	rddreg [dreg:$0x0]  }
0x2: {  	s1 =	rddreg [dreg:$0x1]  }
0x3: {  	s2 =	rddreg [dreg:$0x2]  }
0x4: {  	s3 =	simm.s32 $0x0;
	s4 =	srdreg.scid;
	s5 =	stileid.u32  }
0x5: {  	s10 =	simm.s32 $0x2000;
	s11 =	simm.s32 $0x80;
	s12 =	simm.s32 $0x8400  }
0x6: {  	s14 =	simm.s32 $0xC400;
	s15 =	simm.s32 $0x1;
	s16 =	simm.s32 $0x10400  }
0x7: {  	s17 =	simm.s32 $0x2;
	s18 =	simm.s32 $0x14400;
	s19 =	simm.s32 $0x3  }
0x8: {  	s20 =	simm.s32 $0x18400;
	s21 =	simm.s32 $0x4;
	s22 =	simm.s32 $0x6  }
0x9: {  	s23 =	simm.s32 $0x5;
	s24 =	simm.s32 $0x7;
	s4 =	sand.u32 $0x1, s4  }
0xa: {  	[smem:$0x7FF] =	sst s3;
	s8 =	sshll.u32 s5, $0xA;
	s6 =	ssub.s32 $0x2, s4  }
0xb: {  	s13 =	sadd.s32 $0x400, s0;
	s31 =	sshll.u32 s5, $0x11;
	s7 =	sshrl.u32 s6, $0x1  }
0xc: {  	_ =	strace $0x80000047;
	s9 =	sshll.u32 s4, $0x9;
	s30 =	ssub.s32 s6, s7  }
0xd: {  	s4 =	sshll.u32 s4, $0x10;
	[dreg:$0x4] =	wrdreg s13;
	s0 =	smax.u32 s30, $0x1  }
0xe: {  	s5 =	simm.s32 $0x0;
	[dreg:$0x5] =	wrdreg s0;
	s0 =	sor.u32 s4, s31  }
0xf: {  	v0 =	vlaneseq.u32;
	v1 =	vimm.s32 $0x0;
	s6 =	sor.u32 s9, s8;
	s9 =	simm.s32 $0xB;
	[dreg:$0x6] =	wrdreg s0  }
.LBB2_1:
0x10: {  	[dreg:$0x7] =	wrdreg s5;
	s30 =	simm.s32 $0x0  }
.LBB2_2:
0x11: {  	s0 =	simm.s32 $0x0  }
0x12: {  	v3 =	vor.u32 s0, v0  }
0x13: {  	v2 =	vmulhi.u32 $0x51EB851F, v3;
	_ =	sdelay $0x1  }
0x14: {  	v2 =	vshrl.u32 v2, $0x4  }
0x15: {  	v4 =	vmul.u32 $0xFFFFFFCE, v2  }
0x16: {  	s4 =	simm.s32 $0x10;
	v5 =	vmov s0;
	v6 =	vsub.s32 $0x0, v3  }
0x17: {  	v7 =	vor.u32 s4, v0;
	vm0 =	veq.s32 v5, v0;
	vm1 =	vne.s32 v4, v6  }
0x18: {  	v8 =	vmulhi.u32 $0x51EB851F, v7;
	vm0 =	vmand vm0, vm1  }
0x19: {  	v5 =	vmov s4;
	v4 =	vsel vm0, $0xFFFFFFFF, v1  }
0x1a: {  	s7 =	sshll.u32 s30, $0x6;
	v12 =	vsub.s32 $0x0, v7;
	v8 =	vshrl.u32 v8, $0x4;
	v4 =	vadd.s32 v4, v2  }
0x1b: {  	v11 =	vmul.u32 $0xFFFFFFCE, v8;
	v2 =	vmov s7;
	v6 =	vmul.u32 $0xFFFFFFCE, v4  }
0x1c: {  	vm0 =	veq.s32 v5, v0;
	v5 =	vshll.u32 v4, $0x7;
	v4 =	vadd.s32 v2, v4  }
0x1d: {  	vm2 =	vlt.s32 v4, $0x1;
	v3 =	vadd.s32 v3, v6;
	v6 =	vshra.s32 v4, $0x1F  }
0x1e: {  	v9 =	vand.u32 $0xFFFFFF80, v3;
	v6 =	vshrl.u32 v6, $0x19;
	v10 =	vand.u32 $0x7F, v3  }
0x1f: {  	v5 =	vadd.s32 v5, v9;
	v9 =	vand.u32 $0x7F, v4;
	v6 =	vadd.s32 v6, v4  }
0x20: {  	v3 =	vshll.u32 v3, $0x9;
	vm1 =	vne.s32 v9, $0x0;
	v6 =	vshrl.u32 v6, $0x7  }
0x21: {  	s29 =	sadd.s32 s6, s7;
	v5 =	vor.u32 v10, v5;
	vm1 =	vmand vm2, vm1;
	vm2 =	vne.s32 v11, v12  }
0x22: {  	s31 =	simm.s32 $0x20;
	s4 =	sshll.u32 s29, $0x4;
	v3 =	vor.u32 v9, v3;
	v11 =	vsel vm1, $0xFFFFFFFF, v1;
	vm0 =	vmand vm0, vm2  }
0x23: {  	s4 =	sadd.s32 s13, s4;
	v9 =	vmov s31;
	v6 =	vadd.s32 v11, v6;
	v10 =	vsel vm0, $0xFFFFFFFF, v1  }
0x24: {  	[tilespmem:s0], [sflag:$0xB] =	stream.linear.gather [hbm4b:s4+s0], $0x2000, $0x38;
	vm0 =	veq.s32 v9, v0;
	v6 =	vshll.u32 v6, $0x7;
	v10 =	vadd.s32 v10, v8;
	[tilespmem:$0x1C400] =	vst v63  }
0x25: {  	_ =	swait.ge [sflag:s9], $0x2000;
	v11 =	vsub.s32 v4, v6;
	v9 =	vmul.u32 $0xFFFFFFCE, v10;
	v8 =	vshll.u32 v10, $0x7  }
0x26: {  	[sflag:s9] =	ssyncset.done $0x0;
	v4 =	vadd.s32 v2, v10;
	v6 =	vadd.s32 v6, v3;
	v3 =	vor.u32 s31, v0  }
0x27: {  	[sflag:s9] =	ssyncadd.s32 $0xFFFFE000;
	v63 =	vand.u32 $0xFFFFFF80, v11;
	v10 =	vmulhi.u32 $0x51EB851F, v3;
	v7 =	vadd.s32 v7, v9  }
0x28: {  	s0 =	simm.s32 $0x30;
	v5 =	vld.idx.msk [tilespmem:v5+s3+$0x0], $0xffff;
	v9 =	vshra.s32 v4, $0x1F;
	v6 =	vadd.s32 v63, v6;
	v11 =	vand.u32 $0xFFFFFF80, v7  }
.LBB2_3:
0x29: {  	p0 =	sne.s32 s0, $0xC70;
	v8 =	vadd.s32 v8, v11;
	v9 =	vshrl.u32 v9, $0x19;
	v11 =	vand.u32 $0x7F, v4;
	s4 =	smov.u32 s0;
	s0 =	sadd.s32 $0x10, s0  }
0x2a: {  	v12 =	vand.u32 $0x7F, v7;
	v10 =	vshrl.u32 v10, $0x4;
	vm1 =	vne.s32 v11, $0x0  }
0x2b: {  	vm2 =	vlt.s32 v4, $0x1;
	v9 =	vadd.s32 v9, v4;
	v13 =	vmul.u32 $0xFFFFFFCE, v10  }
0x2c: {  	v14 =	vsub.s32 $0x0, v3;
	v7 =	vshll.u32 v7, $0x9;
	vm1 =	vmand vm2, vm1  }
0x2d: {  	v9 =	vshrl.u32 v9, $0x7;
	vm2 =	vne.s32 v13, v14;
	v13 =	vsel vm1, $0xFFFFFFFF, v1;
	[tilespmem:v6+s10+$0x0] =	vst.idx.msk $0xffff, v5  }
0x2e: {  	v5 =	vor.u32 v12, v8;
	vm0 =	vmand vm0, vm2;
	v6 =	vadd.s32 v13, v9  }
0x2f: {  	v7 =	vor.u32 v11, v7;
	v8 =	vsel vm0, $0xFFFFFFFF, v1;
	v6 =	vshll.u32 v6, $0x7  }
.Ltmp0:
0x30: {  	v9 =	vmov s4;
	v10 =	vadd.s32 v8, v10;
	v11 =	vsub.s32 v4, v6;
	(pc) =	sbr.rel @p0 .LBB2_3-.Ltmp0, $4  }
0x31: {  	vm0 =	veq.s32 v9, v0;
	v9 =	vmul.u32 $0xFFFFFFCE, v10;
	v8 =	vshll.u32 v10, $0x7  }
0x32: {  	v6 =	vadd.s32 v6, v7;
	v4 =	vadd.s32 v2, v10;
	v12 =	vand.u32 $0xFFFFFF80, v11  }
0x33: {  	v7 =	vadd.s32 v3, v9;
	v3 =	vor.u32 s4, v0;
	v9 =	vshra.s32 v4, $0x1F;
	v5 =	vld.idx.msk [tilespmem:v5+s3+$0x0], $0xffff  }
0x34: {  	v6 =	vadd.s32 v12, v6;
	v10 =	vmulhi.u32 $0x51EB851F, v3;
	v11 =	vand.u32 $0xFFFFFF80, v7  }
0x35: {  	v8 =	vadd.s32 v8, v11  }
0x36: {  	v50 =	vand.u32 $0x7F, v4;
	vm2 =	vlt.s32 v4, $0x1;
	v13 =	vsub.s32 $0x0, v3  }
0x37: {  	v9 =	vshrl.u32 v9, $0x19;
	v10 =	vshrl.u32 v10, $0x4;
	vm1 =	vne.s32 v50, $0x0  }
0x38: {  	v9 =	vadd.s32 v9, v4;
	v12 =	vmul.u32 $0xFFFFFFCE, v10;
	vm1 =	vmand vm2, vm1  }
0x39: {  	v51 =	vand.u32 $0x7F, v7;
	v9 =	vshrl.u32 v9, $0x7;
	v52 =	vsel vm1, $0xFFFFFFFF, v1  }
0x3a: {  	v53 =	vshll.u32 v7, $0x9;
	vm13 =	vne.s32 v12, v13;
	v9 =	vadd.s32 v52, v9  }
0x3b: {  	v8 =	vor.u32 v51, v8;
	vm0 =	vmand vm0, vm13;
	v9 =	vshll.u32 v9, $0x7  }
0x3c: {  	v7 =	vor.u32 v50, v53;
	v14 =	vsel vm0, $0xFFFFFFFF, v1;
	v55 =	vsub.s32 v4, v9  }
0x3d: {  	v7 =	vadd.s32 v9, v7;
	v10 =	vadd.s32 v14, v10;
	v4 =	vand.u32 $0xFFFFFF80, v55  }
0x3e: {  	v54 =	vmul.u32 $0xFFFFFFCE, v10;
	v56 =	vshll.u32 v10, $0x7;
	v2 =	vadd.s32 v2, v10  }
0x3f: {  	v4 =	vadd.s32 v4, v7;
	v57 =	vshra.s32 v2, $0x1F;
	v60 =	vand.u32 $0x7F, v2  }
0x40: {  	vm15 =	vlt.s32 v2, $0x1;
	v3 =	vadd.s32 v3, v54;
	v61 =	vshrl.u32 v57, $0x19  }
0x41: {  	[tilespmem:v6+s10+$0x0] =	vst.idx.msk $0xffff, v5;
	vm14 =	vne.s32 v60, $0x0;
	v58 =	vand.u32 $0xFFFFFF80, v3;
	v62 =	vand.u32 $0x7F, v3  }
0x42: {  	v6 =	vld.idx.msk [tilespmem:v8+s3+$0x0], $0xffff;
	v5 =	vadd.s32 v61, v2;
	vm0 =	vmand vm15, vm14;
	v59 =	vadd.s32 v56, v58  }
0x43: {  	v5 =	vshrl.u32 v5, $0x7;
	v63 =	vsel vm0, $0xFFFFFFFF, v1;
	v7 =	vor.u32 v62, v59  }
0x44: {  	v5 =	vadd.s32 v63, v5  }
0x45: {  	v3 =	vshll.u32 v3, $0x9;
	v5 =	vshll.u32 v5, $0x7  }
0x46: {  	v3 =	vor.u32 v60, v3;
	v2 =	vsub.s32 v2, v5  }
0x47: {  	s30 =	sadd.s32 $0x1, s30;
	[tilespmem:v4+s10+$0x0] =	vst.idx.msk $0xffff, v6;
	v3 =	vadd.s32 v5, v3;
	v2 =	vand.u32 $0xFFFFFF80, v2  }
0x48: {  	p0 =	sne.s32 s30, $0x8;
	v2 =	vadd.s32 v2, v3;
	v4 =	vld.idx.msk [tilespmem:v7+s3+$0x0], $0xffff  }
.Ltmp1:
0x49: {  	_ = 	snop;
	(pc) =	sbr.rel @p0 .LBB2_2-.Ltmp1, $2  }
0x4a: {  	_ =	sdelay $0x2  }
0x4b: {  	[tilespmem:v2+s10+$0x0] =	vst.idx.msk $0xffff, v4  }
0x4c: {  	[tilespmem:s12], [sflag:$0x1] =	stream.indirect.gather [hbm4b:s1+s11], $0x80, s10, s11, $0xb8;
	[tilespmem:$0x1C400] =	vst v63  }
0x4d: {  	s0 =	simm.s32 $0x2080  }
0x4e: {  	[tilespmem:s14], [sflag:$0x2] =	stream.indirect.gather [hbm4b:s1+s11], $0x80, s0, s11, $0xb8;
	[tilespmem:$0x1C400] =	vst v63  }
0x4f: {  	_ =	swait.ge [sflag:s15], $0x4000  }
0x50: {  	p0 =	por $0x1, $0x1;
	[sflag:s15] =	ssyncset.done $0x0  }
0x51: {  	s13 =	simm.s32 $0x0;
	s4 =	simm.s32 @!p0 $0x8;
	[sflag:s15] =	ssyncadd.s32 $0xFFFFC000  }
0x52: {  	s0 =	smul.u32 $0x1F0000, s13;
	_ =	swait.ge @!p0 [sflag:s4], $0x4000  }
0x53: {  	s5 =	rddreg [dreg:$0x6]  }
0x54: {  	[sflag:s4] =	ssyncset.done @!p0 $0x0;
	s0 =	sadd.s32 s0, s5  }
0x55: {  	s7 =	simm.s32 $0x2100;
	[sflag:s4] =	ssyncadd.s32 @!p0 $0xFFFFC000;
	s0 =	sshrl.u32 s0, $0x3  }
0x56: {  	[tilespmem:s16], [sflag:$0x3] =	stream.indirect.gather [hbm4b:s1+s11], $0x80, s7, s11, $0xb8;
	[tilespmem:$0x1C400] =	vst v63  }
0x57: {  	s0 =	sadd.s32 s2, s0  }
0x58: {  	[hbm4b:s0+s3] =	stream.linear.scatter [tilespmem:s12], [sflag:$0x6], $0x4000, $0x38;
	[tilespmem:$0x1C400] =	vst v63  }
0x59: {  	s25 =	simm.s32 $0x0;
	_ =	swait.ge [sflag:s17], $0x4000  }
0x5a: {  	s0 =	smul.u32 $0x1F0000, s25;
	[sflag:s17] =	ssyncset.done $0x0  }
0x5b: {  	s4 =	simm.s32 @!p0 $0x9;
	[sflag:s17] =	ssyncadd.s32 $0xFFFFC000  }
0x5c: {  	s0 =	sadd.s32 s0, s5;
	_ =	swait.ge @!p0 [sflag:s4], $0x4000  }
0x5d: {  	s0 =	sadd.s32 $0x4000, s0;
	[sflag:s4] =	ssyncset.done @!p0 $0x0  }
0x5e: {  	s26 =	simm.s32 $0x2180;
	s0 =	sshrl.u32 s0, $0x3;
	[sflag:s4] =	ssyncadd.s32 @!p0 $0xFFFFC000  }
0x5f: {  	[tilespmem:s18], [sflag:$0x4] =	stream.indirect.gather [hbm4b:s1+s11], $0x80, s26, s11, $0xb8;
	[tilespmem:$0x1C400] =	vst v63  }
0x60: {  	s0 =	sadd.s32 s2, s0  }
0x61: {  	[hbm4b:s0+s3] =	stream.linear.scatter [tilespmem:s14], [sflag:$0x7], $0x4000, $0x38;
	[tilespmem:$0x1C400] =	vst v63  }
0x62: {  	s4 =	simm.s32 $0x0;
	_ =	swait.ge [sflag:s19], $0x4000  }
0x63: {  	s0 =	smul.u32 $0x1F0000, s4;
	[sflag:s19] =	ssyncset.done $0x0  }
0x64: {  	s4 =	simm.s32 @!p0 $0xA;
	[sflag:s19] =	ssyncadd.s32 $0xFFFFC000  }
0x65: {  	s0 =	sadd.s32 s0, s5;
	_ =	swait.ge @!p0 [sflag:s4], $0x4000  }
0x66: {  	s0 =	sadd.s32 $0x8000, s0;
	[sflag:s4] =	ssyncset.done @!p0 $0x0  }
0x67: {  	s7 =	simm.s32 $0x2200;
	s0 =	sshrl.u32 s0, $0x3;
	[sflag:s4] =	ssyncadd.s32 @!p0 $0xFFFFC000  }
0x68: {  	[tilespmem:s20], [sflag:$0x5] =	stream.indirect.gather [hbm4b:s1+s11], $0x80, s7, s11, $0xb8;
	[tilespmem:$0x1C400] =	vst v63  }
0x69: {  	s0 =	sadd.s32 s2, s0  }
0x6a: {  	[hbm4b:s0+s3] =	stream.linear.scatter [tilespmem:s16], [sflag:$0x8], $0x4000, $0x38;
	[tilespmem:$0x1C400] =	vst v63  }
0x6b: {  	s8 =	simm.s32 $0x0;
	_ =	swait.ge [sflag:s21], $0x4000  }
0x6c: {  	p1 =	por $0x0, $0x0;
	s0 =	smul.u32 $0x1F0000, s8;
	[sflag:s21] =	ssyncset.done $0x0  }
0x6d: {  	s28 =	simm.s32 @!p1 $0x80;
	[sflag:s21] =	ssyncadd.s32 $0xFFFFC000  }
0x6e: {  	s13 =	simm.s32 $0x1;
	s0 =	sadd.s32 s0, s5;
	_ =	swait.ge [sflag:s22], $0x4000  }
0x6f: {  	s4 =	simm.s32 @!p1 $0x8400;
	s0 =	sadd.s32 $0xC000, s0;
	[sflag:s22] =	ssyncset.done $0x0  }
0x70: {  	s7 =	simm.s32 @!p1 $0x2280;
	s0 =	sshrl.u32 s0, $0x3;
	[sflag:s22] =	ssyncadd.s32 $0xFFFFC000  }
0x71: {  	[tilespmem:s4], [sflag:$0x1] =	stream.indirect.gather @!p1 [hbm4b:s1+s28], $0x80, s7, s28, $0xb8;
	[tilespmem:$0x1C400] =	vst v63  }
0x72: {  	s26 =	smul.u32 $0x1F0000, s13;
	s0 =	sadd.s32 s2, s0  }
0x73: {  	[hbm4b:s0+s3] =	stream.linear.scatter [tilespmem:s18], [sflag:$0x9], $0x4000, $0x38;
	[tilespmem:$0x1C400] =	vst v63  }
0x74: {  	s30 =	simm.s32 $0x5;
	s31 =	simm.s32 $0x7;
	_ =	swait.ge [sflag:s23], $0x4000  }
0x75: {  	s25 =	simm.s32 $0x2300;
	s26 =	sadd.s32 s26, s5;
	[sflag:s23] =	ssyncset.done $0x0  }
0x76: {  	s13 =	simm.s32 $0x8;
	s26 =	sadd.s32 $0x10000, s26;
	[sflag:s23] =	ssyncadd.s32 $0xFFFFC000  }
0x77: {  	s29 =	sshrl.u32 s26, $0x3;
	s26 =	simm.s32 $0x2580;
	_ =	swait.ge [sflag:s24], $0x4000  }
0x78: {  	s8 =	simm.s32 @!p1 $0xC400;
	s4 =	simm.s32 $0x9;
	[sflag:s24] =	ssyncset.done $0x0  }
0x79: {  	s7 =	sadd.s32 $0x14000, s5;
	s0 =	simm.s32 $0x6;
	[sflag:s24] =	ssyncadd.s32 $0xFFFFC000  }
.LBB2_6:
0x7a: {  	[tilespmem:s8], [sflag:$0x2] =	stream.indirect.gather @!p1 [hbm4b:s1+s28], $0x80, s25, s28, $0xb8;
	[tilespmem:$0x1C400] =	vst v63  }
0x7b: {  	s8 =	sadd.s32 s2, s29;
	s28 =	smov.u32 s30;
	s30 =	sadd.s32 $0x5, s30  }
0x7c: {  	[hbm4b:s8+s3] =	stream.linear.scatter [tilespmem:s20], [sflag:$0xA], $0x4000, $0x38;
	[tilespmem:$0x1C400] =	vst v63  }
0x7d: {  	p1 =	seq.s32 s28, $0x0;
	p0 =	sne.s32 s30, $0xC8;
	_ =	swait.ge [sflag:s15], $0x4000  }
0x7e: {  	s8 =	sshrl.u32 s28, $0x2;
	s29 =	simm.s32 @!p1 $0x8;
	[sflag:s15] =	ssyncset.done $0x0  }
0x7f: {  	s25 =	smov.u32 s26;
	s8 =	smul.u32 $0x1F0000, s8;
	[sflag:s15] =	ssyncadd.s32 $0xFFFFC000  }
0x80: {  	_ =	swait.ge @!p1 [sflag:s29], $0x4000  }
0x81: {  	s5 =	sadd.s32 $0xFFFFFE00, s26;
	s8 =	sadd.s32 s8, s7;
	[sflag:s29] =	ssyncset.done @!p1 $0x0  }
0x82: {  	s8 =	sshrl.u32 s8, $0x3;
	[sflag:s29] =	ssyncadd.s32 @!p1 $0xFFFFC000  }
0x83: {  	[tilespmem:s16], [sflag:$0x3] =	stream.indirect.gather [hbm4b:s1+s11], $0x80, s5, s11, $0xb8;
	[tilespmem:$0x1C400] =	vst v63  }
0x84: {  	s5 =	sadd.s32 s2, s8  }
0x85: {  	[hbm4b:s5+s3] =	stream.linear.scatter [tilespmem:s12], [sflag:$0x6], $0x4000, $0x38;
	[tilespmem:$0x1C400] =	vst v63  }
0x86: {  	s5 =	sshrl.u32 s0, $0x2;
	_ =	swait.ge [sflag:s17], $0x4000  }
0x87: {  	s8 =	simm.s32 @!p1 $0x9;
	s5 =	smul.u32 $0x1F0000, s5;
	[sflag:s17] =	ssyncset.done $0x0  }
0x88: {  	[sflag:s17] =	ssyncadd.s32 $0xFFFFC000  }
0x89: {  	s5 =	sadd.s32 s5, s7;
	_ =	swait.ge @!p1 [sflag:s8], $0x4000  }
0x8a: {  	s5 =	sadd.s32 $0x4000, s5;
	[sflag:s8] =	ssyncset.done @!p1 $0x0  }
0x8b: {  	s5 =	sshrl.u32 s5, $0x3;
	[sflag:s8] =	ssyncadd.s32 @!p1 $0xFFFFC000;
	s8 =	sadd.s32 $0xFFFFFE80, s26  }
0x8c: {  	[tilespmem:s18], [sflag:$0x4] =	stream.indirect.gather [hbm4b:s1+s11], $0x80, s8, s11, $0xb8;
	[tilespmem:$0x1C400] =	vst v63  }
0x8d: {  	s5 =	sadd.s32 s2, s5  }
0x8e: {  	[hbm4b:s5+s3] =	stream.linear.scatter [tilespmem:s14], [sflag:$0x7], $0x4000, $0x38;
	[tilespmem:$0x1C400] =	vst v63  }
0x8f: {  	s5 =	sshrl.u32 s31, $0x2;
	_ =	swait.ge [sflag:s19], $0x4000  }
0x90: {  	s8 =	simm.s32 @!p1 $0xA;
	s5 =	smul.u32 $0x1F0000, s5;
	[sflag:s19] =	ssyncset.done $0x0  }
0x91: {  	[sflag:s19] =	ssyncadd.s32 $0xFFFFC000  }
0x92: {  	s5 =	sadd.s32 s5, s7;
	_ =	swait.ge @!p1 [sflag:s8], $0x4000  }
0x93: {  	s5 =	sadd.s32 $0x8000, s5;
	[sflag:s8] =	ssyncset.done @!p1 $0x0  }
0x94: {  	s5 =	sshrl.u32 s5, $0x3;
	[sflag:s8] =	ssyncadd.s32 @!p1 $0xFFFFC000;
	s8 =	sadd.s32 $0xFFFFFF00, s26  }
0x95: {  	[tilespmem:s20], [sflag:$0x5] =	stream.indirect.gather [hbm4b:s1+s11], $0x80, s8, s11, $0xb8;
	[tilespmem:$0x1C400] =	vst v63  }
0x96: {  	s5 =	sadd.s32 s2, s5  }
0x97: {  	[hbm4b:s5+s3] =	stream.linear.scatter [tilespmem:s16], [sflag:$0x8], $0x4000, $0x38;
	[tilespmem:$0x1C400] =	vst v63  }
0x98: {  	s5 =	sshrl.u32 s13, $0x2;
	_ =	swait.ge [sflag:s21], $0x4000  }
0x99: {  	s5 =	smul.u32 $0x1F0000, s5;
	[sflag:s21] =	ssyncset.done $0x0  }
0x9a: {  	[sflag:s21] =	ssyncadd.s32 $0xFFFFC000  }
0x9b: {  	s5 =	sadd.s32 s5, s7;
	_ =	swait.ge [sflag:s22], $0x4000  }
0x9c: {  	p1 =	seq.s32 s28, $0xC3;
	s5 =	sadd.s32 $0xC000, s5;
	[sflag:s22] =	ssyncset.done $0x0  }
0x9d: {  	s8 =	simm.s32 @!p1 $0x8400;
	s5 =	sshrl.u32 s5, $0x3;
	[sflag:s22] =	ssyncadd.s32 $0xFFFFC000  }
0x9e: {  	s29 =	sadd.s32 @!p1 $0xFFFFFF80, s26;
	s28 =	simm.s32 @!p1 $0x80  }
0x9f: {  	[tilespmem:s8], [sflag:$0x1] =	stream.indirect.gather @!p1 [hbm4b:s1+s28], $0x80, s29, s28, $0xb8;
	[tilespmem:$0x1C400] =	vst v63  }
0xa0: {  	s5 =	sadd.s32 s2, s5  }
0xa1: {  	[hbm4b:s5+s3] =	stream.linear.scatter [tilespmem:s18], [sflag:$0x9], $0x4000, $0x38;
	[tilespmem:$0x1C400] =	vst v63  }
0xa2: {  	s5 =	sshrl.u32 s4, $0x2  }
0xa3: {  	s31 =	sadd.s32 $0x5, s31;
	_ =	swait.ge [sflag:s23], $0x4000;
	s5 =	smul.u32 $0x1F0000, s5  }
.Ltmp2:
0xa4: {  	s0 =	sadd.s32 $0x5, s0;
	[sflag:s23] =	ssyncset.done $0x0;
	(pc) =	sbr.rel @p0 .LBB2_6-.Ltmp2, $4  }
0xa5: {  	s13 =	sadd.s32 $0x5, s13;
	s4 =	sadd.s32 $0x5, s4;
	[sflag:s23] =	ssyncadd.s32 $0xFFFFC000  }
0xa6: {  	s5 =	sadd.s32 s5, s7;
	s7 =	sadd.s32 $0x14000, s7;
	_ =	swait.ge [sflag:s24], $0x4000  }
0xa7: {  	s8 =	simm.s32 @!p1 $0xC400;
	s5 =	sadd.s32 $0x10000, s5;
	[sflag:s24] =	ssyncset.done $0x0  }
0xa8: {  	s26 =	sadd.s32 $0x280, s26;
	s29 =	sshrl.u32 s5, $0x3;
	[sflag:s24] =	ssyncadd.s32 $0xFFFFC000  }
0xa9: {  	[tilespmem:s8], [sflag:$0x2] =	stream.indirect.gather @!p1 [hbm4b:s1+s28], $0x80, s25, s28, $0xb8;
	[tilespmem:$0x1C400] =	vst v63  }
0xaa: {  	s0 =	sadd.s32 s2, s29;
	s29 =	simm.s32 $0x8  }
0xab: {  	[hbm4b:s0+s3] =	stream.linear.scatter [tilespmem:s20], [sflag:$0xA], $0x4000, $0x38;
	[tilespmem:$0x1C400] =	vst v63  }
0xac: {  	_ =	swait.ge [sflag:s29], $0x4000  }
0xad: {  	[sflag:s29] =	ssyncset.done $0x0  }
0xae: {  	s30 =	simm.s32 $0x9;
	[sflag:s29] =	ssyncadd.s32 $0xFFFFC000  }
0xaf: {  	_ =	swait.ge [sflag:s30], $0x4000  }
0xb0: {  	[sflag:s30] =	ssyncset.done $0x0  }
0xb1: {  	s4 =	simm.s32 $0xA;
	[sflag:s30] =	ssyncadd.s32 $0xFFFFC000  }
0xb2: {  	_ =	swait.ge [sflag:s4], $0x4000  }
0xb3: {  	s5 =	rddreg [dreg:$0x7]  }
0xb4: {  	s31 =	rddreg [dreg:$0x5];
	s5 =	sadd.s32 $0x1, s5  }
0xb5: {  	p0 =	sne.s32 s5, s31  }
.Ltmp3:
0xb6: {  	_ = 	snop;
	(pc) =	sbr.rel @p0 .LBB2_1-.Ltmp3, $3  }
0xb7: {  	_ =	sdelay $0x1  }
0xb8: {  	[sflag:s4] =	ssyncset.done $0x0  }
0xb9: {  	s13 =	rddreg [dreg:$0x4];
	[sflag:s4] =	ssyncadd.s32 $0xFFFFC000  }
0xba: {  	_ =	sfence.sel $0x180000  }
0xbb: {  	[bflag:$0x0] =	sbarrier.arrive $0xFFFF  }
0xbc: {  	_ =	strace $0x90000047  }
0xbd: {  	s0 =	stileid.u32;
	[bflag:$0x2] =	sbarrier.arrive $0xFFFF  }
0xbe: {  	p0 =	sne.s32 s0, $0x0;
	s0 =	rddreg [dreg:$0x3]  }
0xbf: {  	s0 =	sadd.s32 @!p0 $0x100000, s0  }
0xc0: {  	[sflag:s0] =	ssyncadd.tile.s32 @!p0 $0x1;
	_ =	shalt  }
.Lfunc_end2:
_tile_overlayer_lowered:
.L_overlay_start_2:
0xc1: {  	(tag) =	ssettag $0x2  }
0xc2: {  	s0 =	rddreg [dreg:$0x0];
	s2 =	stileid.u32  }
0xc3: {  	s1 =	rddreg [dreg:$0x1];
	p0 =	sne.s32 s2, $0x0  }
0xc4: {  	s3 =	rddreg [dreg:$0x2];
	[bflag:$0x3] =	sbarrier.arrive $0xFFFF;
	s2 =	simm.s32 @!p0 $0x1C0B  }
0xc5: {  	[timem:s3], [sflag:s2] =	dma.local @!p0 [hbm:s0], s1  }
0xc6: {  	s0 =	simm.s32 @!p0 $0xB  }
0xc7: {  	_ =	swait.ge @!p0 [sflag:s0], s1  }
0xc8: {  	s1 =	ssub.s32 @!p0 $0x0, s1;
	[sflag:s0] =	ssyncset.done @!p0 $0x0  }
0xc9: {  	[sflag:s0] =	ssyncadd.s32 @!p0 s1  }
0xca: {  	[bflag:$0x3] =	sbarrier.arrive $0xFFFF  }
0xcb: {  	_ =	shalt  }

</sc_bundles>
